<compile_context>
chip_gen: v7x
topology: tpu7x:2x2x1
jax: 0.10.2.dev20260603
libtpu: 0.0.44.dev20260713+nightly
codegen_flags: <defaults>
</compile_context>

<pallas_src>
import functools

import jax
import jax.numpy as jnp
from jax import lax
from jax.experimental import pallas as pl
from jax.experimental.pallas import tpu as pltpu
from jax.experimental.pallas import tpu_sc as plsc

_LAMDA = 0.5
_NC = 2
_NS = 16
_NW = _NC * _NS
_L = 16


def _make_sc_kernel(batch, dim, num_classes):
    rows_per_w = batch // _NW
    chunk = 64
    n_chunks = rows_per_w // chunk
    n_buf = 3
    n_acc = dim // _L

    mesh = plsc.VectorSubcoreMesh(
        core_axis_name="c", subcore_axis_name="s",
        num_cores=_NC, num_subcores=_NS)

    @functools.partial(
        pl.kernel,
        out_type=jax.ShapeDtypeStruct((_NW, _L), jnp.float32),
        mesh=mesh,
        scratch_types=[
            pltpu.VMEM((rows_per_w,), jnp.int32),
            [pltpu.VMEM((chunk, dim), jnp.float32)] * n_buf,
            [pltpu.VMEM((chunk, dim), jnp.float32)] * n_buf,
            pltpu.VMEM((_L,), jnp.float32),
            [pltpu.SemaphoreType.DMA] * n_buf,
            [pltpu.SemaphoreType.DMA] * n_buf,
        ],
    )
    def sck(feat_hbm, tgt_hbm, cent_hbm, out_hbm, idx_v, gbufs, fbufs,
            acc_v, gsems, fsems):
        wid = lax.axis_index("s") * _NC + lax.axis_index("c")
        base = wid * rows_per_w
        gcopies = [None] * n_chunks
        fcopies = [None] * n_chunks

        def start_chunk(c):
            gcopies[c] = pltpu.async_copy(
                cent_hbm.at[idx_v.at[pl.ds(c * chunk, chunk)]],
                gbufs[c % n_buf], gsems[c % n_buf])
            fcopies[c] = pltpu.async_copy(
                feat_hbm.at[pl.ds(base + c * chunk, chunk)],
                fbufs[c % n_buf], fsems[c % n_buf])

        pltpu.sync_copy(tgt_hbm.at[pl.ds(base, chunk)],
                        idx_v.at[pl.ds(0, chunk)])
        start_chunk(0)
        pltpu.sync_copy(tgt_hbm.at[pl.ds(base + chunk, rows_per_w - chunk)],
                        idx_v.at[pl.ds(chunk, rows_per_w - chunk)])
        for c in range(1, n_buf):
            start_chunk(c)

        accs = tuple(jnp.zeros((_L,), jnp.float32) for _ in range(n_acc))
        for c in range(n_chunks):
            gcopies[c].wait()
            fcopies[c].wait()
            gbuf = gbufs[c % n_buf]
            fbuf = fbufs[c % n_buf]

            @plsc.parallel_loop(0, chunk, carry=accs, unroll=8)
            def accs(i, a):
                out = []
                for k in range(n_acc):
                    d = (gbuf[i, pl.ds(k * _L, _L)]
                         - fbuf[i, pl.ds(k * _L, _L)])
                    out.append(a[k] + d * d)
                return tuple(out)

            if c + n_buf < n_chunks:
                start_chunk(c + n_buf)

        total = accs[0]
        for k in range(1, n_acc):
            total = total + accs[k]
        acc_v[...] = total
        pltpu.sync_copy(acc_v, out_hbm.at[wid])

    return sck


def kernel(feat, target, centers):
    batch, dim = feat.shape
    sck = _make_sc_kernel(batch, dim, centers.shape[0])
    partials = sck(feat, target.astype(jnp.int32), centers)
    return _LAMDA * jnp.sum(partials) / 2.0 / batch

# --- scband reference (transcript-rebuilt; emitter-appended) ---
"""Pipeline reference for scband-center-loss-7232724926896 (READ-ONLY COPY).

The authoritative reference and input builder live on the scoring server;
editing this copy changes nothing except your own understanding.
"""

import jax, jax.numpy as jnp
import numpy as np

LAMDA = 0.5
NUM_CLASSES = 100000
FEAT_DIM = 128
BATCH = 16384

def setup_inputs(seed: int = 0) -> dict:
    key = jax.random.key(seed)
    k1, k2, k3 = jax.random.split(key, 3)
    feat = jax.random.normal(k1, (BATCH, FEAT_DIM), dtype=jnp.float32)
    target = jax.random.randint(k2, (BATCH,), 0, NUM_CLASSES, dtype=jnp.int64 if jax.config.jax_enable_x64 else jnp.int32).astype(jnp.int32)
    centers = jax.random.normal(k3, (NUM_CLASSES, FEAT_DIM), dtype=jnp.float32)
    return {"feat": feat, "target": target, "centers": centers}

def reference(feat, target, centers):
    batch_size = feat.shape[0]
    feat2 = feat.reshape(batch_size, -1)
    centers_batch = jnp.take(centers, target, axis=0)
    diff = centers_batch - feat2
    loss = LAMDA * jnp.sum(diff ** 2) / 2.0 / batch_size
    return loss

if __name__ == "__main__":
    import jax
    _d = setup_inputs()
    print(jax.jit(kernel)(*tuple(_d.values())))

</pallas_src>

<mosaic_0001>
#map = affine_map<(d0, d1) -> (0, 0)>
#map1 = affine_map<(d0, d1) -> (0)>
module attributes {stable_mosaic.version = 14 : i64} {
  func.func @sck(%arg0: i32, %arg1: i32, %arg2: memref<16384x128xf32, #tpu.memory_space<hbm>>, %arg3: memref<16384xi32, #tpu.memory_space<hbm>>, %arg4: memref<100000x128xf32, #tpu.memory_space<hbm>>, %arg5: memref<32x16xf32, #tpu.memory_space<hbm>>, %arg6: memref<512xi32, #tpu.memory_space<vmem>>, %arg7: memref<64x128xf32, #tpu.memory_space<vmem>>, %arg8: memref<64x128xf32, #tpu.memory_space<vmem>>, %arg9: memref<64x128xf32, #tpu.memory_space<vmem>>, %arg10: memref<64x128xf32, #tpu.memory_space<vmem>>, %arg11: memref<64x128xf32, #tpu.memory_space<vmem>>, %arg12: memref<64x128xf32, #tpu.memory_space<vmem>>, %arg13: memref<16xf32, #tpu.memory_space<vmem>>, %arg14: memref<!tpu.dma_semaphore, #tpu.memory_space<semaphore_mem>>, %arg15: memref<!tpu.dma_semaphore, #tpu.memory_space<semaphore_mem>>, %arg16: memref<!tpu.dma_semaphore, #tpu.memory_space<semaphore_mem>>, %arg17: memref<!tpu.dma_semaphore, #tpu.memory_space<semaphore_mem>>, %arg18: memref<!tpu.dma_semaphore, #tpu.memory_space<semaphore_mem>>, %arg19: memref<!tpu.dma_semaphore, #tpu.memory_space<semaphore_mem>>) attributes {dimension_semantics = [#tpu.dimension_semantics<core_parallel>, #tpu.dimension_semantics<subcore_parallel>], iteration_bounds = array<i64: 2, 16>, scalar_prefetch = 0 : i64, scratch_operands = 14 : i64, tpu.core_type = #tpu.core_type<sc_vector_subcore>, window_params = [{transform_indices = #map}, {transform_indices = #map1}, {transform_indices = #map}, {transform_indices = #map}]} {
    %mul3A = arith.constant 2 : i32
    %mul3A_0 = arith.muli %arg1, %mul3A : i32
    %add3A = arith.addi %mul3A_0, %arg0 : i32
    %mul3A_1 = arith.constant 512 : i32
    %mul3A_2 = arith.muli %add3A, %mul3A_1 : i32
    "tpu.region"() ({
      %run_scoped3A = tpu.sem_alloc : memref<!tpu.dma_semaphore, #tpu.memory_space<semaphore_mem>>
      %dma_start3A_219 = arith.constant 0 : i32
      %dma_start3A_220 = tpu.memref_slice %arg6[%dma_start3A_219] : memref<512xi32, #tpu.memory_space<vmem>> -> memref<64xi32, #tpu.memory_space<vmem>>
      %dma_start3A_221 = tpu.memref_slice %arg3[%mul3A_2] : memref<16384xi32, #tpu.memory_space<hbm>> -> memref<64xi32, #tpu.memory_space<hbm>>
      %dma_start3A_222 = arith.constant 0 : i32
      %dma_start3A_223 = tpu.memref_slice %arg6[%dma_start3A_222] : memref<512xi32, #tpu.memory_space<vmem>> -> memref<64xi32, #tpu.memory_space<vmem>>
      %dma_start3A_224 = tpu.memref_slice %arg3[%mul3A_2] : memref<16384xi32, #tpu.memory_space<hbm>> -> memref<64xi32, #tpu.memory_space<hbm>>
      tpu.enqueue_dma source(%dma_start3A_224 : memref<64xi32, #tpu.memory_space<hbm>>) target(%dma_start3A_223 : memref<64xi32, #tpu.memory_space<vmem>>) target_semaphore(%run_scoped3A : memref<!tpu.dma_semaphore, #tpu.memory_space<semaphore_mem>>)
      %dma_wait3A_225 = arith.constant 0 : i32
      %dma_wait3A_226 = tpu.memref_slice %arg6[%dma_wait3A_225] : memref<512xi32, #tpu.memory_space<vmem>> -> memref<64xi32, #tpu.memory_space<vmem>>
      %dma_wait3A_227 = tpu.memref_slice %arg3[%mul3A_2] : memref<16384xi32, #tpu.memory_space<hbm>> -> memref<64xi32, #tpu.memory_space<hbm>>
      %dma_wait3A_228 = arith.constant 0 : i32
      %dma_wait3A_229 = tpu.memref_slice %arg6[%dma_wait3A_228] : memref<512xi32, #tpu.memory_space<vmem>> -> memref<64xi32, #tpu.memory_space<vmem>>
      %dma_wait3A_230 = tpu.memref_slice %arg3[%mul3A_2] : memref<16384xi32, #tpu.memory_space<hbm>> -> memref<64xi32, #tpu.memory_space<hbm>>
      tpu.wait_dma2 semaphore(%run_scoped3A : memref<!tpu.dma_semaphore, #tpu.memory_space<semaphore_mem>>) src(%dma_wait3A_230 : memref<64xi32, #tpu.memory_space<hbm>>) dst(%dma_wait3A_229 : memref<64xi32, #tpu.memory_space<vmem>>)
      tpu.yield
    }) : () -> ()
    %dma_start3A = arith.constant 0 : i32
    %dma_start3A_3 = tpu.memref_slice %arg6[%dma_start3A] : memref<512xi32, #tpu.memory_space<vmem>> -> memref<64xi32, #tpu.memory_space<vmem>>
    %dma_start3A_4 = arith.constant 0 : i32
    %dma_start3A_5 = arith.constant 0 : i32
    %dma_start3A_6 = tpu.memref_slice %arg4[%dma_start3A_4, %dma_start3A_5] : memref<100000x128xf32, #tpu.memory_space<hbm>> -> memref<100000x128xf32, #tpu.memory_space<hbm>>
    tpu.enqueue_indirect_dma source(%dma_start3A_6 : memref<100000x128xf32, #tpu.memory_space<hbm>>) target(%arg7 : memref<64x128xf32, #tpu.memory_space<vmem>>) offsets(%dma_start3A_3 : memref<64xi32, #tpu.memory_space<vmem>>) semaphore(%arg14 : memref<!tpu.dma_semaphore, #tpu.memory_space<semaphore_mem>>)
    %add3A_7 = arith.constant 0 : i32
    %add3A_8 = arith.addi %mul3A_2, %add3A_7 : i32
    %dma_start3A_9 = arith.constant 0 : i32
    %dma_start3A_10 = tpu.memref_slice %arg2[%add3A_8, %dma_start3A_9] : memref<16384x128xf32, #tpu.memory_space<hbm>> -> memref<64x128xf32, #tpu.memory_space<hbm>>
    %dma_start3A_11 = arith.constant 0 : i32
    %dma_start3A_12 = tpu.memref_slice %arg2[%add3A_8, %dma_start3A_11] : memref<16384x128xf32, #tpu.memory_space<hbm>> -> memref<64x128xf32, #tpu.memory_space<hbm>>
    tpu.enqueue_dma source(%dma_start3A_12 : memref<64x128xf32, #tpu.memory_space<hbm>>) target(%arg10 : memref<64x128xf32, #tpu.memory_space<vmem>>) target_semaphore(%arg17 : memref<!tpu.dma_semaphore, #tpu.memory_space<semaphore_mem>>)
    %add3A_13 = arith.constant 64 : i32
    %add3A_14 = arith.addi %mul3A_2, %add3A_13 : i32
    "tpu.region"() ({
      %run_scoped3A = tpu.sem_alloc : memref<!tpu.dma_semaphore, #tpu.memory_space<semaphore_mem>>
      %dma_start3A_219 = arith.constant 64 : i32
      %dma_start3A_220 = tpu.memref_slice %arg6[%dma_start3A_219] : memref<512xi32, #tpu.memory_space<vmem>> -> memref<448xi32, #tpu.memory_space<vmem>>
      %dma_start3A_221 = tpu.memref_slice %arg3[%add3A_14] : memref<16384xi32, #tpu.memory_space<hbm>> -> memref<448xi32, #tpu.memory_space<hbm>>
      %dma_start3A_222 = arith.constant 64 : i32
      %dma_start3A_223 = tpu.memref_slice %arg6[%dma_start3A_222] : memref<512xi32, #tpu.memory_space<vmem>> -> memref<448xi32, #tpu.memory_space<vmem>>
      %dma_start3A_224 = tpu.memref_slice %arg3[%add3A_14] : memref<16384xi32, #tpu.memory_space<hbm>> -> memref<448xi32, #tpu.memory_space<hbm>>
      tpu.enqueue_dma source(%dma_start3A_224 : memref<448xi32, #tpu.memory_space<hbm>>) target(%dma_start3A_223 : memref<448xi32, #tpu.memory_space<vmem>>) target_semaphore(%run_scoped3A : memref<!tpu.dma_semaphore, #tpu.memory_space<semaphore_mem>>)
      %dma_wait3A_225 = arith.constant 64 : i32
      %dma_wait3A_226 = tpu.memref_slice %arg6[%dma_wait3A_225] : memref<512xi32, #tpu.memory_space<vmem>> -> memref<448xi32, #tpu.memory_space<vmem>>
      %dma_wait3A_227 = tpu.memref_slice %arg3[%add3A_14] : memref<16384xi32, #tpu.memory_space<hbm>> -> memref<448xi32, #tpu.memory_space<hbm>>
      %dma_wait3A_228 = arith.constant 64 : i32
      %dma_wait3A_229 = tpu.memref_slice %arg6[%dma_wait3A_228] : memref<512xi32, #tpu.memory_space<vmem>> -> memref<448xi32, #tpu.memory_space<vmem>>
      %dma_wait3A_230 = tpu.memref_slice %arg3[%add3A_14] : memref<16384xi32, #tpu.memory_space<hbm>> -> memref<448xi32, #tpu.memory_space<hbm>>
      tpu.wait_dma2 semaphore(%run_scoped3A : memref<!tpu.dma_semaphore, #tpu.memory_space<semaphore_mem>>) src(%dma_wait3A_230 : memref<448xi32, #tpu.memory_space<hbm>>) dst(%dma_wait3A_229 : memref<448xi32, #tpu.memory_space<vmem>>)
      tpu.yield
    }) : () -> ()
    %dma_start3A_15 = arith.constant 64 : i32
    %dma_start3A_16 = tpu.memref_slice %arg6[%dma_start3A_15] : memref<512xi32, #tpu.memory_space<vmem>> -> memref<64xi32, #tpu.memory_space<vmem>>
    %dma_start3A_17 = arith.constant 0 : i32
    %dma_start3A_18 = arith.constant 0 : i32
    %dma_start3A_19 = tpu.memref_slice %arg4[%dma_start3A_17, %dma_start3A_18] : memref<100000x128xf32, #tpu.memory_space<hbm>> -> memref<100000x128xf32, #tpu.memory_space<hbm>>
    tpu.enqueue_indirect_dma source(%dma_start3A_19 : memref<100000x128xf32, #tpu.memory_space<hbm>>) target(%arg8 : memref<64x128xf32, #tpu.memory_space<vmem>>) offsets(%dma_start3A_16 : memref<64xi32, #tpu.memory_space<vmem>>) semaphore(%arg15 : memref<!tpu.dma_semaphore, #tpu.memory_space<semaphore_mem>>)
    %add3A_20 = arith.constant 64 : i32
    %add3A_21 = arith.addi %mul3A_2, %add3A_20 : i32
    %dma_start3A_22 = arith.constant 0 : i32
    %dma_start3A_23 = tpu.memref_slice %arg2[%add3A_21, %dma_start3A_22] : memref<16384x128xf32, #tpu.memory_space<hbm>> -> memref<64x128xf32, #tpu.memory_space<hbm>>
    %dma_start3A_24 = arith.constant 0 : i32
    %dma_start3A_25 = tpu.memref_slice %arg2[%add3A_21, %dma_start3A_24] : memref<16384x128xf32, #tpu.memory_space<hbm>> -> memref<64x128xf32, #tpu.memory_space<hbm>>
    tpu.enqueue_dma source(%dma_start3A_25 : memref<64x128xf32, #tpu.memory_space<hbm>>) target(%arg11 : memref<64x128xf32, #tpu.memory_space<vmem>>) target_semaphore(%arg18 : memref<!tpu.dma_semaphore, #tpu.memory_space<semaphore_mem>>)
    %dma_start3A_26 = arith.constant 128 : i32
    %dma_start3A_27 = tpu.memref_slice %arg6[%dma_start3A_26] : memref<512xi32, #tpu.memory_space<vmem>> -> memref<64xi32, #tpu.memory_space<vmem>>
    %dma_start3A_28 = arith.constant 0 : i32
    %dma_start3A_29 = arith.constant 0 : i32
    %dma_start3A_30 = tpu.memref_slice %arg4[%dma_start3A_28, %dma_start3A_29] : memref<100000x128xf32, #tpu.memory_space<hbm>> -> memref<100000x128xf32, #tpu.memory_space<hbm>>
    tpu.enqueue_indirect_dma source(%dma_start3A_30 : memref<100000x128xf32, #tpu.memory_space<hbm>>) target(%arg9 : memref<64x128xf32, #tpu.memory_space<vmem>>) offsets(%dma_start3A_27 : memref<64xi32, #tpu.memory_space<vmem>>) semaphore(%arg16 : memref<!tpu.dma_semaphore, #tpu.memory_space<semaphore_mem>>)
    %add3A_31 = arith.constant 128 : i32
    %add3A_32 = arith.addi %mul3A_2, %add3A_31 : i32
    %dma_start3A_33 = arith.constant 0 : i32
    %dma_start3A_34 = tpu.memref_slice %arg2[%add3A_32, %dma_start3A_33] : memref<16384x128xf32, #tpu.memory_space<hbm>> -> memref<64x128xf32, #tpu.memory_space<hbm>>
    %dma_start3A_35 = arith.constant 0 : i32
    %dma_start3A_36 = tpu.memref_slice %arg2[%add3A_32, %dma_start3A_35] : memref<16384x128xf32, #tpu.memory_space<hbm>> -> memref<64x128xf32, #tpu.memory_space<hbm>>
    tpu.enqueue_dma source(%dma_start3A_36 : memref<64x128xf32, #tpu.memory_space<hbm>>) target(%arg12 : memref<64x128xf32, #tpu.memory_space<vmem>>) target_semaphore(%arg19 : memref<!tpu.dma_semaphore, #tpu.memory_space<semaphore_mem>>)
    %broadcast_in_dim3A = arith.constant 0.000000e+00 : f32
    %broadcast_in_dim3A_37 = vector.broadcast %broadcast_in_dim3A : f32 to vector<16xf32>
    %broadcast_in_dim3A_38 = arith.constant 0.000000e+00 : f32
    %broadcast_in_dim3A_39 = vector.broadcast %broadcast_in_dim3A_38 : f32 to vector<16xf32>
    %broadcast_in_dim3A_40 = arith.constant 0.000000e+00 : f32
    %broadcast_in_dim3A_41 = vector.broadcast %broadcast_in_dim3A_40 : f32 to vector<16xf32>
    %broadcast_in_dim3A_42 = arith.constant 0.000000e+00 : f32
    %broadcast_in_dim3A_43 = vector.broadcast %broadcast_in_dim3A_42 : f32 to vector<16xf32>
    %broadcast_in_dim3A_44 = arith.constant 0.000000e+00 : f32
    %broadcast_in_dim3A_45 = vector.broadcast %broadcast_in_dim3A_44 : f32 to vector<16xf32>
    %broadcast_in_dim3A_46 = arith.constant 0.000000e+00 : f32
    %broadcast_in_dim3A_47 = vector.broadcast %broadcast_in_dim3A_46 : f32 to vector<16xf32>
    %broadcast_in_dim3A_48 = arith.constant 0.000000e+00 : f32
    %broadcast_in_dim3A_49 = vector.broadcast %broadcast_in_dim3A_48 : f32 to vector<16xf32>
    %broadcast_in_dim3A_50 = arith.constant 0.000000e+00 : f32
    %broadcast_in_dim3A_51 = vector.broadcast %broadcast_in_dim3A_50 : f32 to vector<16xf32>
    %dma_wait3A = arith.constant 0 : i32
    %dma_wait3A_52 = tpu.memref_slice %arg6[%dma_wait3A] : memref<512xi32, #tpu.memory_space<vmem>> -> memref<64xi32, #tpu.memory_space<vmem>>
    %dma_wait3A_53 = arith.constant 0 : i32
    %dma_wait3A_54 = arith.constant 0 : i32
    %dma_wait3A_55 = tpu.memref_slice %arg4[%dma_wait3A_53, %dma_wait3A_54] : memref<100000x128xf32, #tpu.memory_space<hbm>> -> memref<100000x128xf32, #tpu.memory_space<hbm>>
    tpu.wait_indirect_dma semaphore(%arg14 : memref<!tpu.dma_semaphore, #tpu.memory_space<semaphore_mem>>) src(%dma_wait3A_55 : memref<100000x128xf32, #tpu.memory_space<hbm>>) dst(%arg7 : memref<64x128xf32, #tpu.memory_space<vmem>>)
    %dma_wait3A_56 = arith.constant 0 : i32
    %dma_wait3A_57 = tpu.memref_slice %arg2[%add3A_8, %dma_wait3A_56] : memref<16384x128xf32, #tpu.memory_space<hbm>> -> memref<64x128xf32, #tpu.memory_space<hbm>>
    %dma_wait3A_58 = arith.constant 0 : i32
    %dma_wait3A_59 = tpu.memref_slice %arg2[%add3A_8, %dma_wait3A_58] : memref<16384x128xf32, #tpu.memory_space<hbm>> -> memref<64x128xf32, #tpu.memory_space<hbm>>
    tpu.wait_dma2 semaphore(%arg17 : memref<!tpu.dma_semaphore, #tpu.memory_space<semaphore_mem>>) src(%dma_wait3A_59 : memref<64x128xf32, #tpu.memory_space<hbm>>) dst(%arg10 : memref<64x128xf32, #tpu.memory_space<vmem>>)
    %parallel_loop3A = arith.constant 0 : i32
    %parallel_loop3A_60 = arith.constant 64 : i32
    %parallel_loop3A_61 = arith.constant 1 : i32
    %parallel_loop3A_62:8 = scf.for %parallel_loop3A_219 = %parallel_loop3A to %parallel_loop3A_60 step %parallel_loop3A_61 iter_args(%parallel_loop3A_220 = %broadcast_in_dim3A_37, %parallel_loop3A_221 = %broadcast_in_dim3A_39, %parallel_loop3A_222 = %broadcast_in_dim3A_41, %parallel_loop3A_223 = %broadcast_in_dim3A_43, %parallel_loop3A_224 = %broadcast_in_dim3A_45, %parallel_loop3A_225 = %broadcast_in_dim3A_47, %parallel_loop3A_226 = %broadcast_in_dim3A_49, %parallel_loop3A_227 = %broadcast_in_dim3A_51) -> (vector<16xf32>, vector<16xf32>, vector<16xf32>, vector<16xf32>, vector<16xf32>, vector<16xf32>, vector<16xf32>, vector<16xf32>)  : i32 {
      %parallel_loop3A_228 = arith.index_cast %parallel_loop3A_219 : i32 to index
      %parallel_loop3A_229 = arith.constant 0 : index
      %parallel_loop3A_230 = tpu.vector_load %arg7[%parallel_loop3A_228, %parallel_loop3A_229] {strides = array<i32>} : memref<64x128xf32, #tpu.memory_space<vmem>>, vector<1x16xf32>,
      %parallel_loop3A_231 = vector.shape_cast %parallel_loop3A_230 : vector<1x16xf32> to vector<16xf32>
      %parallel_loop3A_232 = arith.index_cast %parallel_loop3A_219 : i32 to index
      %parallel_loop3A_233 = arith.constant 0 : index
      %parallel_loop3A_234 = tpu.vector_load %arg10[%parallel_loop3A_232, %parallel_loop3A_233] {strides = array<i32>} : memref<64x128xf32, #tpu.memory_space<vmem>>, vector<1x16xf32>,
      %parallel_loop3A_235 = vector.shape_cast %parallel_loop3A_234 : vector<1x16xf32> to vector<16xf32>
      %parallel_loop3A_236 = arith.subf %parallel_loop3A_231, %parallel_loop3A_235 : vector<16xf32>
      %parallel_loop3A_237 = arith.mulf %parallel_loop3A_236, %parallel_loop3A_236 : vector<16xf32>
      %parallel_loop3A_238 = arith.addf %parallel_loop3A_220, %parallel_loop3A_237 : vector<16xf32>
      %parallel_loop3A_239 = arith.index_cast %parallel_loop3A_219 : i32 to index
      %parallel_loop3A_240 = arith.constant 16 : index
      %parallel_loop3A_241 = tpu.vector_load %arg7[%parallel_loop3A_239, %parallel_loop3A_240] {strides = array<i32>} : memref<64x128xf32, #tpu.memory_space<vmem>>, vector<1x16xf32>,
      %parallel_loop3A_242 = vector.shape_cast %parallel_loop3A_241 : vector<1x16xf32> to vector<16xf32>
      %parallel_loop3A_243 = arith.index_cast %parallel_loop3A_219 : i32 to index
      %parallel_loop3A_244 = arith.constant 16 : index
      %parallel_loop3A_245 = tpu.vector_load %arg10[%parallel_loop3A_243, %parallel_loop3A_244] {strides = array<i32>} : memref<64x128xf32, #tpu.memory_space<vmem>>, vector<1x16xf32>,
      %parallel_loop3A_246 = vector.shape_cast %parallel_loop3A_245 : vector<1x16xf32> to vector<16xf32>
      %parallel_loop3A_247 = arith.subf %parallel_loop3A_242, %parallel_loop3A_246 : vector<16xf32>
      %parallel_loop3A_248 = arith.mulf %parallel_loop3A_247, %parallel_loop3A_247 : vector<16xf32>
      %parallel_loop3A_249 = arith.addf %parallel_loop3A_221, %parallel_loop3A_248 : vector<16xf32>
      %parallel_loop3A_250 = arith.index_cast %parallel_loop3A_219 : i32 to index
      %parallel_loop3A_251 = arith.constant 32 : index
      %parallel_loop3A_252 = tpu.vector_load %arg7[%parallel_loop3A_250, %parallel_loop3A_251] {strides = array<i32>} : memref<64x128xf32, #tpu.memory_space<vmem>>, vector<1x16xf32>,
      %parallel_loop3A_253 = vector.shape_cast %parallel_loop3A_252 : vector<1x16xf32> to vector<16xf32>
      %parallel_loop3A_254 = arith.index_cast %parallel_loop3A_219 : i32 to index
      %parallel_loop3A_255 = arith.constant 32 : index
      %parallel_loop3A_256 = tpu.vector_load %arg10[%parallel_loop3A_254, %parallel_loop3A_255] {strides = array<i32>} : memref<64x128xf32, #tpu.memory_space<vmem>>, vector<1x16xf32>,
      %parallel_loop3A_257 = vector.shape_cast %parallel_loop3A_256 : vector<1x16xf32> to vector<16xf32>
      %parallel_loop3A_258 = arith.subf %parallel_loop3A_253, %parallel_loop3A_257 : vector<16xf32>
      %parallel_loop3A_259 = arith.mulf %parallel_loop3A_258, %parallel_loop3A_258 : vector<16xf32>
      %parallel_loop3A_260 = arith.addf %parallel_loop3A_222, %parallel_loop3A_259 : vector<16xf32>
      %parallel_loop3A_261 = arith.index_cast %parallel_loop3A_219 : i32 to index
      %parallel_loop3A_262 = arith.constant 48 : index
      %parallel_loop3A_263 = tpu.vector_load %arg7[%parallel_loop3A_261, %parallel_loop3A_262] {strides = array<i32>} : memref<64x128xf32, #tpu.memory_space<vmem>>, vector<1x16xf32>,
      %parallel_loop3A_264 = vector.shape_cast %parallel_loop3A_263 : vector<1x16xf32> to vector<16xf32>
      %parallel_loop3A_265 = arith.index_cast %parallel_loop3A_219 : i32 to index
      %parallel_loop3A_266 = arith.constant 48 : index
      %parallel_loop3A_267 = tpu.vector_load %arg10[%parallel_loop3A_265, %parallel_loop3A_266] {strides = array<i32>} : memref<64x128xf32, #tpu.memory_space<vmem>>, vector<1x16xf32>,
      %parallel_loop3A_268 = vector.shape_cast %parallel_loop3A_267 : vector<1x16xf32> to vector<16xf32>
      %parallel_loop3A_269 = arith.subf %parallel_loop3A_264, %parallel_loop3A_268 : vector<16xf32>
      %parallel_loop3A_270 = arith.mulf %parallel_loop3A_269, %parallel_loop3A_269 : vector<16xf32>
      %parallel_loop3A_271 = arith.addf %parallel_loop3A_223, %parallel_loop3A_270 : vector<16xf32>
      %parallel_loop3A_272 = arith.index_cast %parallel_loop3A_219 : i32 to index
      %parallel_loop3A_273 = arith.constant 64 : index
      %parallel_loop3A_274 = tpu.vector_load %arg7[%parallel_loop3A_272, %parallel_loop3A_273] {strides = array<i32>} : memref<64x128xf32, #tpu.memory_space<vmem>>, vector<1x16xf32>,
      %parallel_loop3A_275 = vector.shape_cast %parallel_loop3A_274 : vector<1x16xf32> to vector<16xf32>
      %parallel_loop3A_276 = arith.index_cast %parallel_loop3A_219 : i32 to index
      %parallel_loop3A_277 = arith.constant 64 : index
      %parallel_loop3A_278 = tpu.vector_load %arg10[%parallel_loop3A_276, %parallel_loop3A_277] {strides = array<i32>} : memref<64x128xf32, #tpu.memory_space<vmem>>, vector<1x16xf32>,
      %parallel_loop3A_279 = vector.shape_cast %parallel_loop3A_278 : vector<1x16xf32> to vector<16xf32>
      %parallel_loop3A_280 = arith.subf %parallel_loop3A_275, %parallel_loop3A_279 : vector<16xf32>
      %parallel_loop3A_281 = arith.mulf %parallel_loop3A_280, %parallel_loop3A_280 : vector<16xf32>
      %parallel_loop3A_282 = arith.addf %parallel_loop3A_224, %parallel_loop3A_281 : vector<16xf32>
      %parallel_loop3A_283 = arith.index_cast %parallel_loop3A_219 : i32 to index
      %parallel_loop3A_284 = arith.constant 80 : index
      %parallel_loop3A_285 = tpu.vector_load %arg7[%parallel_loop3A_283, %parallel_loop3A_284] {strides = array<i32>} : memref<64x128xf32, #tpu.memory_space<vmem>>, vector<1x16xf32>,
      %parallel_loop3A_286 = vector.shape_cast %parallel_loop3A_285 : vector<1x16xf32> to vector<16xf32>
      %parallel_loop3A_287 = arith.index_cast %parallel_loop3A_219 : i32 to index
      %parallel_loop3A_288 = arith.constant 80 : index
      %parallel_loop3A_289 = tpu.vector_load %arg10[%parallel_loop3A_287, %parallel_loop3A_288] {strides = array<i32>} : memref<64x128xf32, #tpu.memory_space<vmem>>, vector<1x16xf32>,
      %parallel_loop3A_290 = vector.shape_cast %parallel_loop3A_289 : vector<1x16xf32> to vector<16xf32>
      %parallel_loop3A_291 = arith.subf %parallel_loop3A_286, %parallel_loop3A_290 : vector<16xf32>
      %parallel_loop3A_292 = arith.mulf %parallel_loop3A_291, %parallel_loop3A_291 : vector<16xf32>
      %parallel_loop3A_293 = arith.addf %parallel_loop3A_225, %parallel_loop3A_292 : vector<16xf32>
      %parallel_loop3A_294 = arith.index_cast %parallel_loop3A_219 : i32 to index
      %parallel_loop3A_295 = arith.constant 96 : index
      %parallel_loop3A_296 = tpu.vector_load %arg7[%parallel_loop3A_294, %parallel_loop3A_295] {strides = array<i32>} : memref<64x128xf32, #tpu.memory_space<vmem>>, vector<1x16xf32>,
      %parallel_loop3A_297 = vector.shape_cast %parallel_loop3A_296 : vector<1x16xf32> to vector<16xf32>
      %parallel_loop3A_298 = arith.index_cast %parallel_loop3A_219 : i32 to index
      %parallel_loop3A_299 = arith.constant 96 : index
      %parallel_loop3A_300 = tpu.vector_load %arg10[%parallel_loop3A_298, %parallel_loop3A_299] {strides = array<i32>} : memref<64x128xf32, #tpu.memory_space<vmem>>, vector<1x16xf32>,
      %parallel_loop3A_301 = vector.shape_cast %parallel_loop3A_300 : vector<1x16xf32> to vector<16xf32>
      %parallel_loop3A_302 = arith.subf %parallel_loop3A_297, %parallel_loop3A_301 : vector<16xf32>
      %parallel_loop3A_303 = arith.mulf %parallel_loop3A_302, %parallel_loop3A_302 : vector<16xf32>
      %parallel_loop3A_304 = arith.addf %parallel_loop3A_226, %parallel_loop3A_303 : vector<16xf32>
      %parallel_loop3A_305 = arith.index_cast %parallel_loop3A_219 : i32 to index
      %parallel_loop3A_306 = arith.constant 112 : index
      %parallel_loop3A_307 = tpu.vector_load %arg7[%parallel_loop3A_305, %parallel_loop3A_306] {strides = array<i32>} : memref<64x128xf32, #tpu.memory_space<vmem>>, vector<1x16xf32>,
      %parallel_loop3A_308 = vector.shape_cast %parallel_loop3A_307 : vector<1x16xf32> to vector<16xf32>
      %parallel_loop3A_309 = arith.index_cast %parallel_loop3A_219 : i32 to index
      %parallel_loop3A_310 = arith.constant 112 : index
      %parallel_loop3A_311 = tpu.vector_load %arg10[%parallel_loop3A_309, %parallel_loop3A_310] {strides = array<i32>} : memref<64x128xf32, #tpu.memory_space<vmem>>, vector<1x16xf32>,
      %parallel_loop3A_312 = vector.shape_cast %parallel_loop3A_311 : vector<1x16xf32> to vector<16xf32>
      %parallel_loop3A_313 = arith.subf %parallel_loop3A_308, %parallel_loop3A_312 : vector<16xf32>
      %parallel_loop3A_314 = arith.mulf %parallel_loop3A_313, %parallel_loop3A_313 : vector<16xf32>
      %parallel_loop3A_315 = arith.addf %parallel_loop3A_227, %parallel_loop3A_314 : vector<16xf32>
      scf.yield %parallel_loop3A_238, %parallel_loop3A_249, %parallel_loop3A_260, %parallel_loop3A_271, %parallel_loop3A_282, %parallel_loop3A_293, %parallel_loop3A_304, %parallel_loop3A_315 : vector<16xf32>, vector<16xf32>, vector<16xf32>, vector<16xf32>, vector<16xf32>, vector<16xf32>, vector<16xf32>, vector<16xf32>
    } {sc.loop_unroll_factor = 8 : i64, sc.parallel_access}
    %dma_start3A_63 = arith.constant 192 : i32
    %dma_start3A_64 = tpu.memref_slice %arg6[%dma_start3A_63] : memref<512xi32, #tpu.memory_space<vmem>> -> memref<64xi32, #tpu.memory_space<vmem>>
    %dma_start3A_65 = arith.constant 0 : i32
    %dma_start3A_66 = arith.constant 0 : i32
    %dma_start3A_67 = tpu.memref_slice %arg4[%dma_start3A_65, %dma_start3A_66] : memref<100000x128xf32, #tpu.memory_space<hbm>> -> memref<100000x128xf32, #tpu.memory_space<hbm>>
    tpu.enqueue_indirect_dma source(%dma_start3A_67 : memref<100000x128xf32, #tpu.memory_space<hbm>>) target(%arg7 : memref<64x128xf32, #tpu.memory_space<vmem>>) offsets(%dma_start3A_64 : memref<64xi32, #tpu.memory_space<vmem>>) semaphore(%arg14 : memref<!tpu.dma_semaphore, #tpu.memory_space<semaphore_mem>>)
    %add3A_68 = arith.constant 192 : i32
    %add3A_69 = arith.addi %mul3A_2, %add3A_68 : i32
    %dma_start3A_70 = arith.constant 0 : i32
    %dma_start3A_71 = tpu.memref_slice %arg2[%add3A_69, %dma_start3A_70] : memref<16384x128xf32, #tpu.memory_space<hbm>> -> memref<64x128xf32, #tpu.memory_space<hbm>>
    %dma_start3A_72 = arith.constant 0 : i32
    %dma_start3A_73 = tpu.memref_slice %arg2[%add3A_69, %dma_start3A_72] : memref<16384x128xf32, #tpu.memory_space<hbm>> -> memref<64x128xf32, #tpu.memory_space<hbm>>
    tpu.enqueue_dma source(%dma_start3A_73 : memref<64x128xf32, #tpu.memory_space<hbm>>) target(%arg10 : memref<64x128xf32, #tpu.memory_space<vmem>>) target_semaphore(%arg17 : memref<!tpu.dma_semaphore, #tpu.memory_space<semaphore_mem>>)
    %dma_wait3A_74 = arith.constant 64 : i32
    %dma_wait3A_75 = tpu.memref_slice %arg6[%dma_wait3A_74] : memref<512xi32, #tpu.memory_space<vmem>> -> memref<64xi32, #tpu.memory_space<vmem>>
    %dma_wait3A_76 = arith.constant 0 : i32
    %dma_wait3A_77 = arith.constant 0 : i32
    %dma_wait3A_78 = tpu.memref_slice %arg4[%dma_wait3A_76, %dma_wait3A_77] : memref<100000x128xf32, #tpu.memory_space<hbm>> -> memref<100000x128xf32, #tpu.memory_space<hbm>>
    tpu.wait_indirect_dma semaphore(%arg15 : memref<!tpu.dma_semaphore, #tpu.memory_space<semaphore_mem>>) src(%dma_wait3A_78 : memref<100000x128xf32, #tpu.memory_space<hbm>>) dst(%arg8 : memref<64x128xf32, #tpu.memory_space<vmem>>)
    %dma_wait3A_79 = arith.constant 0 : i32
    %dma_wait3A_80 = tpu.memref_slice %arg2[%add3A_21, %dma_wait3A_79] : memref<16384x128xf32, #tpu.memory_space<hbm>> -> memref<64x128xf32, #tpu.memory_space<hbm>>
    %dma_wait3A_81 = arith.constant 0 : i32
    %dma_wait3A_82 = tpu.memref_slice %arg2[%add3A_21, %dma_wait3A_81] : memref<16384x128xf32, #tpu.memory_space<hbm>> -> memref<64x128xf32, #tpu.memory_space<hbm>>
    tpu.wait_dma2 semaphore(%arg18 : memref<!tpu.dma_semaphore, #tpu.memory_space<semaphore_mem>>) src(%dma_wait3A_82 : memref<64x128xf32, #tpu.memory_space<hbm>>) dst(%arg11 : memref<64x128xf32, #tpu.memory_space<vmem>>)
    %parallel_loop3A_83 = arith.constant 0 : i32
    %parallel_loop3A_84 = arith.constant 64 : i32
    %parallel_loop3A_85 = arith.constant 1 : i32
    %parallel_loop3A_86:8 = scf.for %parallel_loop3A_219 = %parallel_loop3A_83 to %parallel_loop3A_84 step %parallel_loop3A_85 iter_args(%parallel_loop3A_220 = %parallel_loop3A_62#0, %parallel_loop3A_221 = %parallel_loop3A_62#1, %parallel_loop3A_222 = %parallel_loop3A_62#2, %parallel_loop3A_223 = %parallel_loop3A_62#3, %parallel_loop3A_224 = %parallel_loop3A_62#4, %parallel_loop3A_225 = %parallel_loop3A_62#5, %parallel_loop3A_226 = %parallel_loop3A_62#6, %parallel_loop3A_227 = %parallel_loop3A_62#7) -> (vector<16xf32>, vector<16xf32>, vector<16xf32>, vector<16xf32>, vector<16xf32>, vector<16xf32>, vector<16xf32>, vector<16xf32>)  : i32 {
      %parallel_loop3A_228 = arith.index_cast %parallel_loop3A_219 : i32 to index
      %parallel_loop3A_229 = arith.constant 0 : index
      %parallel_loop3A_230 = tpu.vector_load %arg8[%parallel_loop3A_228, %parallel_loop3A_229] {strides = array<i32>} : memref<64x128xf32, #tpu.memory_space<vmem>>, vector<1x16xf32>,
      %parallel_loop3A_231 = vector.shape_cast %parallel_loop3A_230 : vector<1x16xf32> to vector<16xf32>
      %parallel_loop3A_232 = arith.index_cast %parallel_loop3A_219 : i32 to index
      %parallel_loop3A_233 = arith.constant 0 : index
      %parallel_loop3A_234 = tpu.vector_load %arg11[%parallel_loop3A_232, %parallel_loop3A_233] {strides = array<i32>} : memref<64x128xf32, #tpu.memory_space<vmem>>, vector<1x16xf32>,
      %parallel_loop3A_235 = vector.shape_cast %parallel_loop3A_234 : vector<1x16xf32> to vector<16xf32>
      %parallel_loop3A_236 = arith.subf %parallel_loop3A_231, %parallel_loop3A_235 : vector<16xf32>
      %parallel_loop3A_237 = arith.mulf %parallel_loop3A_236, %parallel_loop3A_236 : vector<16xf32>
      %parallel_loop3A_238 = arith.addf %parallel_loop3A_220, %parallel_loop3A_237 : vector<16xf32>
      %parallel_loop3A_239 = arith.index_cast %parallel_loop3A_219 : i32 to index
      %parallel_loop3A_240 = arith.constant 16 : index
      %parallel_loop3A_241 = tpu.vector_load %arg8[%parallel_loop3A_239, %parallel_loop3A_240] {strides = array<i32>} : memref<64x128xf32, #tpu.memory_space<vmem>>, vector<1x16xf32>,
      %parallel_loop3A_242 = vector.shape_cast %parallel_loop3A_241 : vector<1x16xf32> to vector<16xf32>
      %parallel_loop3A_243 = arith.index_cast %parallel_loop3A_219 : i32 to index
      %parallel_loop3A_244 = arith.constant 16 : index
      %parallel_loop3A_245 = tpu.vector_load %arg11[%parallel_loop3A_243, %parallel_loop3A_244] {strides = array<i32>} : memref<64x128xf32, #tpu.memory_space<vmem>>, vector<1x16xf32>,
      %parallel_loop3A_246 = vector.shape_cast %parallel_loop3A_245 : vector<1x16xf32> to vector<16xf32>
      %parallel_loop3A_247 = arith.subf %parallel_loop3A_242, %parallel_loop3A_246 : vector<16xf32>
      %parallel_loop3A_248 = arith.mulf %parallel_loop3A_247, %parallel_loop3A_247 : vector<16xf32>
      %parallel_loop3A_249 = arith.addf %parallel_loop3A_221, %parallel_loop3A_248 : vector<16xf32>
      %parallel_loop3A_250 = arith.index_cast %parallel_loop3A_219 : i32 to index
      %parallel_loop3A_251 = arith.constant 32 : index
      %parallel_loop3A_252 = tpu.vector_load %arg8[%parallel_loop3A_250, %parallel_loop3A_251] {strides = array<i32>} : memref<64x128xf32, #tpu.memory_space<vmem>>, vector<1x16xf32>,
      %parallel_loop3A_253 = vector.shape_cast %parallel_loop3A_252 : vector<1x16xf32> to vector<16xf32>
      %parallel_loop3A_254 = arith.index_cast %parallel_loop3A_219 : i32 to index
      %parallel_loop3A_255 = arith.constant 32 : index
      %parallel_loop3A_256 = tpu.vector_load %arg11[%parallel_loop3A_254, %parallel_loop3A_255] {strides = array<i32>} : memref<64x128xf32, #tpu.memory_space<vmem>>, vector<1x16xf32>,
      %parallel_loop3A_257 = vector.shape_cast %parallel_loop3A_256 : vector<1x16xf32> to vector<16xf32>
      %parallel_loop3A_258 = arith.subf %parallel_loop3A_253, %parallel_loop3A_257 : vector<16xf32>
      %parallel_loop3A_259 = arith.mulf %parallel_loop3A_258, %parallel_loop3A_258 : vector<16xf32>
      %parallel_loop3A_260 = arith.addf %parallel_loop3A_222, %parallel_loop3A_259 : vector<16xf32>
      %parallel_loop3A_261 = arith.index_cast %parallel_loop3A_219 : i32 to index
      %parallel_loop3A_262 = arith.constant 48 : index
      %parallel_loop3A_263 = tpu.vector_load %arg8[%parallel_loop3A_261, %parallel_loop3A_262] {strides = array<i32>} : memref<64x128xf32, #tpu.memory_space<vmem>>, vector<1x16xf32>,
      %parallel_loop3A_264 = vector.shape_cast %parallel_loop3A_263 : vector<1x16xf32> to vector<16xf32>
      %parallel_loop3A_265 = arith.index_cast %parallel_loop3A_219 : i32 to index
      %parallel_loop3A_266 = arith.constant 48 : index
      %parallel_loop3A_267 = tpu.vector_load %arg11[%parallel_loop3A_265, %parallel_loop3A_266] {strides = array<i32>} : memref<64x128xf32, #tpu.memory_space<vmem>>, vector<1x16xf32>,
      %parallel_loop3A_268 = vector.shape_cast %parallel_loop3A_267 : vector<1x16xf32> to vector<16xf32>
      %parallel_loop3A_269 = arith.subf %parallel_loop3A_264, %parallel_loop3A_268 : vector<16xf32>
      %parallel_loop3A_270 = arith.mulf %parallel_loop3A_269, %parallel_loop3A_269 : vector<16xf32>
      %parallel_loop3A_271 = arith.addf %parallel_loop3A_223, %parallel_loop3A_270 : vector<16xf32>
      %parallel_loop3A_272 = arith.index_cast %parallel_loop3A_219 : i32 to index
      %parallel_loop3A_273 = arith.constant 64 : index
      %parallel_loop3A_274 = tpu.vector_load %arg8[%parallel_loop3A_272, %parallel_loop3A_273] {strides = array<i32>} : memref<64x128xf32, #tpu.memory_space<vmem>>, vector<1x16xf32>,
      %parallel_loop3A_275 = vector.shape_cast %parallel_loop3A_274 : vector<1x16xf32> to vector<16xf32>
      %parallel_loop3A_276 = arith.index_cast %parallel_loop3A_219 : i32 to index
      %parallel_loop3A_277 = arith.constant 64 : index
      %parallel_loop3A_278 = tpu.vector_load %arg11[%parallel_loop3A_276, %parallel_loop3A_277] {strides = array<i32>} : memref<64x128xf32, #tpu.memory_space<vmem>>, vector<1x16xf32>,
      %parallel_loop3A_279 = vector.shape_cast %parallel_loop3A_278 : vector<1x16xf32> to vector<16xf32>
      %parallel_loop3A_280 = arith.subf %parallel_loop3A_275, %parallel_loop3A_279 : vector<16xf32>
      %parallel_loop3A_281 = arith.mulf %parallel_loop3A_280, %parallel_loop3A_280 : vector<16xf32>
      %parallel_loop3A_282 = arith.addf %parallel_loop3A_224, %parallel_loop3A_281 : vector<16xf32>
      %parallel_loop3A_283 = arith.index_cast %parallel_loop3A_219 : i32 to index
      %parallel_loop3A_284 = arith.constant 80 : index
      %parallel_loop3A_285 = tpu.vector_load %arg8[%parallel_loop3A_283, %parallel_loop3A_284] {strides = array<i32>} : memref<64x128xf32, #tpu.memory_space<vmem>>, vector<1x16xf32>,
      %parallel_loop3A_286 = vector.shape_cast %parallel_loop3A_285 : vector<1x16xf32> to vector<16xf32>
      %parallel_loop3A_287 = arith.index_cast %parallel_loop3A_219 : i32 to index
      %parallel_loop3A_288 = arith.constant 80 : index
      %parallel_loop3A_289 = tpu.vector_load %arg11[%parallel_loop3A_287, %parallel_loop3A_288] {strides = array<i32>} : memref<64x128xf32, #tpu.memory_space<vmem>>, vector<1x16xf32>,
      %parallel_loop3A_290 = vector.shape_cast %parallel_loop3A_289 : vector<1x16xf32> to vector<16xf32>
      %parallel_loop3A_291 = arith.subf %parallel_loop3A_286, %parallel_loop3A_290 : vector<16xf32>
      %parallel_loop3A_292 = arith.mulf %parallel_loop3A_291, %parallel_loop3A_291 : vector<16xf32>
      %parallel_loop3A_293 = arith.addf %parallel_loop3A_225, %parallel_loop3A_292 : vector<16xf32>
      %parallel_loop3A_294 = arith.index_cast %parallel_loop3A_219 : i32 to index
      %parallel_loop3A_295 = arith.constant 96 : index
      %parallel_loop3A_296 = tpu.vector_load %arg8[%parallel_loop3A_294, %parallel_loop3A_295] {strides = array<i32>} : memref<64x128xf32, #tpu.memory_space<vmem>>, vector<1x16xf32>,
      %parallel_loop3A_297 = vector.shape_cast %parallel_loop3A_296 : vector<1x16xf32> to vector<16xf32>
      %parallel_loop3A_298 = arith.index_cast %parallel_loop3A_219 : i32 to index
      %parallel_loop3A_299 = arith.constant 96 : index
      %parallel_loop3A_300 = tpu.vector_load %arg11[%parallel_loop3A_298, %parallel_loop3A_299] {strides = array<i32>} : memref<64x128xf32, #tpu.memory_space<vmem>>, vector<1x16xf32>,
      %parallel_loop3A_301 = vector.shape_cast %parallel_loop3A_300 : vector<1x16xf32> to vector<16xf32>
      %parallel_loop3A_302 = arith.subf %parallel_loop3A_297, %parallel_loop3A_301 : vector<16xf32>
      %parallel_loop3A_303 = arith.mulf %parallel_loop3A_302, %parallel_loop3A_302 : vector<16xf32>
      %parallel_loop3A_304 = arith.addf %parallel_loop3A_226, %parallel_loop3A_303 : vector<16xf32>
      %parallel_loop3A_305 = arith.index_cast %parallel_loop3A_219 : i32 to index
      %parallel_loop3A_306 = arith.constant 112 : index
      %parallel_loop3A_307 = tpu.vector_load %arg8[%parallel_loop3A_305, %parallel_loop3A_306] {strides = array<i32>} : memref<64x128xf32, #tpu.memory_space<vmem>>, vector<1x16xf32>,
      %parallel_loop3A_308 = vector.shape_cast %parallel_loop3A_307 : vector<1x16xf32> to vector<16xf32>
      %parallel_loop3A_309 = arith.index_cast %parallel_loop3A_219 : i32 to index
      %parallel_loop3A_310 = arith.constant 112 : index
      %parallel_loop3A_311 = tpu.vector_load %arg11[%parallel_loop3A_309, %parallel_loop3A_310] {strides = array<i32>} : memref<64x128xf32, #tpu.memory_space<vmem>>, vector<1x16xf32>,
      %parallel_loop3A_312 = vector.shape_cast %parallel_loop3A_311 : vector<1x16xf32> to vector<16xf32>
      %parallel_loop3A_313 = arith.subf %parallel_loop3A_308, %parallel_loop3A_312 : vector<16xf32>
      %parallel_loop3A_314 = arith.mulf %parallel_loop3A_313, %parallel_loop3A_313 : vector<16xf32>
      %parallel_loop3A_315 = arith.addf %parallel_loop3A_227, %parallel_loop3A_314 : vector<16xf32>
      scf.yield %parallel_loop3A_238, %parallel_loop3A_249, %parallel_loop3A_260, %parallel_loop3A_271, %parallel_loop3A_282, %parallel_loop3A_293, %parallel_loop3A_304, %parallel_loop3A_315 : vector<16xf32>, vector<16xf32>, vector<16xf32>, vector<16xf32>, vector<16xf32>, vector<16xf32>, vector<16xf32>, vector<16xf32>
    } {sc.loop_unroll_factor = 8 : i64, sc.parallel_access}
    %dma_start3A_87 = arith.constant 256 : i32
    %dma_start3A_88 = tpu.memref_slice %arg6[%dma_start3A_87] : memref<512xi32, #tpu.memory_space<vmem>> -> memref<64xi32, #tpu.memory_space<vmem>>
    %dma_start3A_89 = arith.constant 0 : i32
    %dma_start3A_90 = arith.constant 0 : i32
    %dma_start3A_91 = tpu.memref_slice %arg4[%dma_start3A_89, %dma_start3A_90] : memref<100000x128xf32, #tpu.memory_space<hbm>> -> memref<100000x128xf32, #tpu.memory_space<hbm>>
    tpu.enqueue_indirect_dma source(%dma_start3A_91 : memref<100000x128xf32, #tpu.memory_space<hbm>>) target(%arg8 : memref<64x128xf32, #tpu.memory_space<vmem>>) offsets(%dma_start3A_88 : memref<64xi32, #tpu.memory_space<vmem>>) semaphore(%arg15 : memref<!tpu.dma_semaphore, #tpu.memory_space<semaphore_mem>>)
    %add3A_92 = arith.constant 256 : i32
    %add3A_93 = arith.addi %mul3A_2, %add3A_92 : i32
    %dma_start3A_94 = arith.constant 0 : i32
    %dma_start3A_95 = tpu.memref_slice %arg2[%add3A_93, %dma_start3A_94] : memref<16384x128xf32, #tpu.memory_space<hbm>> -> memref<64x128xf32, #tpu.memory_space<hbm>>
    %dma_start3A_96 = arith.constant 0 : i32
    %dma_start3A_97 = tpu.memref_slice %arg2[%add3A_93, %dma_start3A_96] : memref<16384x128xf32, #tpu.memory_space<hbm>> -> memref<64x128xf32, #tpu.memory_space<hbm>>
    tpu.enqueue_dma source(%dma_start3A_97 : memref<64x128xf32, #tpu.memory_space<hbm>>) target(%arg11 : memref<64x128xf32, #tpu.memory_space<vmem>>) target_semaphore(%arg18 : memref<!tpu.dma_semaphore, #tpu.memory_space<semaphore_mem>>)
    %dma_wait3A_98 = arith.constant 128 : i32
    %dma_wait3A_99 = tpu.memref_slice %arg6[%dma_wait3A_98] : memref<512xi32, #tpu.memory_space<vmem>> -> memref<64xi32, #tpu.memory_space<vmem>>
    %dma_wait3A_100 = arith.constant 0 : i32
    %dma_wait3A_101 = arith.constant 0 : i32
    %dma_wait3A_102 = tpu.memref_slice %arg4[%dma_wait3A_100, %dma_wait3A_101] : memref<100000x128xf32, #tpu.memory_space<hbm>> -> memref<100000x128xf32, #tpu.memory_space<hbm>>
    tpu.wait_indirect_dma semaphore(%arg16 : memref<!tpu.dma_semaphore, #tpu.memory_space<semaphore_mem>>) src(%dma_wait3A_102 : memref<100000x128xf32, #tpu.memory_space<hbm>>) dst(%arg9 : memref<64x128xf32, #tpu.memory_space<vmem>>)
    %dma_wait3A_103 = arith.constant 0 : i32
    %dma_wait3A_104 = tpu.memref_slice %arg2[%add3A_32, %dma_wait3A_103] : memref<16384x128xf32, #tpu.memory_space<hbm>> -> memref<64x128xf32, #tpu.memory_space<hbm>>
    %dma_wait3A_105 = arith.constant 0 : i32
    %dma_wait3A_106 = tpu.memref_slice %arg2[%add3A_32, %dma_wait3A_105] : memref<16384x128xf32, #tpu.memory_space<hbm>> -> memref<64x128xf32, #tpu.memory_space<hbm>>
    tpu.wait_dma2 semaphore(%arg19 : memref<!tpu.dma_semaphore, #tpu.memory_space<semaphore_mem>>) src(%dma_wait3A_106 : memref<64x128xf32, #tpu.memory_space<hbm>>) dst(%arg12 : memref<64x128xf32, #tpu.memory_space<vmem>>)
    %parallel_loop3A_107 = arith.constant 0 : i32
    %parallel_loop3A_108 = arith.constant 64 : i32
    %parallel_loop3A_109 = arith.constant 1 : i32
    %parallel_loop3A_110:8 = scf.for %parallel_loop3A_219 = %parallel_loop3A_107 to %parallel_loop3A_108 step %parallel_loop3A_109 iter_args(%parallel_loop3A_220 = %parallel_loop3A_86#0, %parallel_loop3A_221 = %parallel_loop3A_86#1, %parallel_loop3A_222 = %parallel_loop3A_86#2, %parallel_loop3A_223 = %parallel_loop3A_86#3, %parallel_loop3A_224 = %parallel_loop3A_86#4, %parallel_loop3A_225 = %parallel_loop3A_86#5, %parallel_loop3A_226 = %parallel_loop3A_86#6, %parallel_loop3A_227 = %parallel_loop3A_86#7) -> (vector<16xf32>, vector<16xf32>, vector<16xf32>, vector<16xf32>, vector<16xf32>, vector<16xf32>, vector<16xf32>, vector<16xf32>)  : i32 {
      %parallel_loop3A_228 = arith.index_cast %parallel_loop3A_219 : i32 to index
      %parallel_loop3A_229 = arith.constant 0 : index
      %parallel_loop3A_230 = tpu.vector_load %arg9[%parallel_loop3A_228, %parallel_loop3A_229] {strides = array<i32>} : memref<64x128xf32, #tpu.memory_space<vmem>>, vector<1x16xf32>,
      %parallel_loop3A_231 = vector.shape_cast %parallel_loop3A_230 : vector<1x16xf32> to vector<16xf32>
      %parallel_loop3A_232 = arith.index_cast %parallel_loop3A_219 : i32 to index
      %parallel_loop3A_233 = arith.constant 0 : index
      %parallel_loop3A_234 = tpu.vector_load %arg12[%parallel_loop3A_232, %parallel_loop3A_233] {strides = array<i32>} : memref<64x128xf32, #tpu.memory_space<vmem>>, vector<1x16xf32>,
      %parallel_loop3A_235 = vector.shape_cast %parallel_loop3A_234 : vector<1x16xf32> to vector<16xf32>
      %parallel_loop3A_236 = arith.subf %parallel_loop3A_231, %parallel_loop3A_235 : vector<16xf32>
      %parallel_loop3A_237 = arith.mulf %parallel_loop3A_236, %parallel_loop3A_236 : vector<16xf32>
      %parallel_loop3A_238 = arith.addf %parallel_loop3A_220, %parallel_loop3A_237 : vector<16xf32>
      %parallel_loop3A_239 = arith.index_cast %parallel_loop3A_219 : i32 to index
      %parallel_loop3A_240 = arith.constant 16 : index
      %parallel_loop3A_241 = tpu.vector_load %arg9[%parallel_loop3A_239, %parallel_loop3A_240] {strides = array<i32>} : memref<64x128xf32, #tpu.memory_space<vmem>>, vector<1x16xf32>,
      %parallel_loop3A_242 = vector.shape_cast %parallel_loop3A_241 : vector<1x16xf32> to vector<16xf32>
      %parallel_loop3A_243 = arith.index_cast %parallel_loop3A_219 : i32 to index
      %parallel_loop3A_244 = arith.constant 16 : index
      %parallel_loop3A_245 = tpu.vector_load %arg12[%parallel_loop3A_243, %parallel_loop3A_244] {strides = array<i32>} : memref<64x128xf32, #tpu.memory_space<vmem>>, vector<1x16xf32>,
      %parallel_loop3A_246 = vector.shape_cast %parallel_loop3A_245 : vector<1x16xf32> to vector<16xf32>
      %parallel_loop3A_247 = arith.subf %parallel_loop3A_242, %parallel_loop3A_246 : vector<16xf32>
      %parallel_loop3A_248 = arith.mulf %parallel_loop3A_247, %parallel_loop3A_247 : vector<16xf32>
      %parallel_loop3A_249 = arith.addf %parallel_loop3A_221, %parallel_loop3A_248 : vector<16xf32>
      %parallel_loop3A_250 = arith.index_cast %parallel_loop3A_219 : i32 to index
      %parallel_loop3A_251 = arith.constant 32 : index
      %parallel_loop3A_252 = tpu.vector_load %arg9[%parallel_loop3A_250, %parallel_loop3A_251] {strides = array<i32>} : memref<64x128xf32, #tpu.memory_space<vmem>>, vector<1x16xf32>,
      %parallel_loop3A_253 = vector.shape_cast %parallel_loop3A_252 : vector<1x16xf32> to vector<16xf32>
      %parallel_loop3A_254 = arith.index_cast %parallel_loop3A_219 : i32 to index
      %parallel_loop3A_255 = arith.constant 32 : index
      %parallel_loop3A_256 = tpu.vector_load %arg12[%parallel_loop3A_254, %parallel_loop3A_255] {strides = array<i32>} : memref<64x128xf32, #tpu.memory_space<vmem>>, vector<1x16xf32>,
      %parallel_loop3A_257 = vector.shape_cast %parallel_loop3A_256 : vector<1x16xf32> to vector<16xf32>
      %parallel_loop3A_258 = arith.subf %parallel_loop3A_253, %parallel_loop3A_257 : vector<16xf32>
      %parallel_loop3A_259 = arith.mulf %parallel_loop3A_258, %parallel_loop3A_258 : vector<16xf32>
      %parallel_loop3A_260 = arith.addf %parallel_loop3A_222, %parallel_loop3A_259 : vector<16xf32>
      %parallel_loop3A_261 = arith.index_cast %parallel_loop3A_219 : i32 to index
      %parallel_loop3A_262 = arith.constant 48 : index
      %parallel_loop3A_263 = tpu.vector_load %arg9[%parallel_loop3A_261, %parallel_loop3A_262] {strides = array<i32>} : memref<64x128xf32, #tpu.memory_space<vmem>>, vector<1x16xf32>,
      %parallel_loop3A_264 = vector.shape_cast %parallel_loop3A_263 : vector<1x16xf32> to vector<16xf32>
      %parallel_loop3A_265 = arith.index_cast %parallel_loop3A_219 : i32 to index
      %parallel_loop3A_266 = arith.constant 48 : index
      %parallel_loop3A_267 = tpu.vector_load %arg12[%parallel_loop3A_265, %parallel_loop3A_266] {strides = array<i32>} : memref<64x128xf32, #tpu.memory_space<vmem>>, vector<1x16xf32>,
      %parallel_loop3A_268 = vector.shape_cast %parallel_loop3A_267 : vector<1x16xf32> to vector<16xf32>
      %parallel_loop3A_269 = arith.subf %parallel_loop3A_264, %parallel_loop3A_268 : vector<16xf32>
      %parallel_loop3A_270 = arith.mulf %parallel_loop3A_269, %parallel_loop3A_269 : vector<16xf32>
      %parallel_loop3A_271 = arith.addf %parallel_loop3A_223, %parallel_loop3A_270 : vector<16xf32>
      %parallel_loop3A_272 = arith.index_cast %parallel_loop3A_219 : i32 to index
      %parallel_loop3A_273 = arith.constant 64 : index
      %parallel_loop3A_274 = tpu.vector_load %arg9[%parallel_loop3A_272, %parallel_loop3A_273] {strides = array<i32>} : memref<64x128xf32, #tpu.memory_space<vmem>>, vector<1x16xf32>,
      %parallel_loop3A_275 = vector.shape_cast %parallel_loop3A_274 : vector<1x16xf32> to vector<16xf32>
      %parallel_loop3A_276 = arith.index_cast %parallel_loop3A_219 : i32 to index
      %parallel_loop3A_277 = arith.constant 64 : index
      %parallel_loop3A_278 = tpu.vector_load %arg12[%parallel_loop3A_276, %parallel_loop3A_277] {strides = array<i32>} : memref<64x128xf32, #tpu.memory_space<vmem>>, vector<1x16xf32>,
      %parallel_loop3A_279 = vector.shape_cast %parallel_loop3A_278 : vector<1x16xf32> to vector<16xf32>
      %parallel_loop3A_280 = arith.subf %parallel_loop3A_275, %parallel_loop3A_279 : vector<16xf32>
      %parallel_loop3A_281 = arith.mulf %parallel_loop3A_280, %parallel_loop3A_280 : vector<16xf32>
      %parallel_loop3A_282 = arith.addf %parallel_loop3A_224, %parallel_loop3A_281 : vector<16xf32>
      %parallel_loop3A_283 = arith.index_cast %parallel_loop3A_219 : i32 to index
      %parallel_loop3A_284 = arith.constant 80 : index
      %parallel_loop3A_285 = tpu.vector_load %arg9[%parallel_loop3A_283, %parallel_loop3A_284] {strides = array<i32>} : memref<64x128xf32, #tpu.memory_space<vmem>>, vector<1x16xf32>,
      %parallel_loop3A_286 = vector.shape_cast %parallel_loop3A_285 : vector<1x16xf32> to vector<16xf32>
      %parallel_loop3A_287 = arith.index_cast %parallel_loop3A_219 : i32 to index
      %parallel_loop3A_288 = arith.constant 80 : index
      %parallel_loop3A_289 = tpu.vector_load %arg12[%parallel_loop3A_287, %parallel_loop3A_288] {strides = array<i32>} : memref<64x128xf32, #tpu.memory_space<vmem>>, vector<1x16xf32>,
      %parallel_loop3A_290 = vector.shape_cast %parallel_loop3A_289 : vector<1x16xf32> to vector<16xf32>
      %parallel_loop3A_291 = arith.subf %parallel_loop3A_286, %parallel_loop3A_290 : vector<16xf32>
      %parallel_loop3A_292 = arith.mulf %parallel_loop3A_291, %parallel_loop3A_291 : vector<16xf32>
      %parallel_loop3A_293 = arith.addf %parallel_loop3A_225, %parallel_loop3A_292 : vector<16xf32>
      %parallel_loop3A_294 = arith.index_cast %parallel_loop3A_219 : i32 to index
      %parallel_loop3A_295 = arith.constant 96 : index
      %parallel_loop3A_296 = tpu.vector_load %arg9[%parallel_loop3A_294, %parallel_loop3A_295] {strides = array<i32>} : memref<64x128xf32, #tpu.memory_space<vmem>>, vector<1x16xf32>,
      %parallel_loop3A_297 = vector.shape_cast %parallel_loop3A_296 : vector<1x16xf32> to vector<16xf32>
      %parallel_loop3A_298 = arith.index_cast %parallel_loop3A_219 : i32 to index
      %parallel_loop3A_299 = arith.constant 96 : index
      %parallel_loop3A_300 = tpu.vector_load %arg12[%parallel_loop3A_298, %parallel_loop3A_299] {strides = array<i32>} : memref<64x128xf32, #tpu.memory_space<vmem>>, vector<1x16xf32>,
      %parallel_loop3A_301 = vector.shape_cast %parallel_loop3A_300 : vector<1x16xf32> to vector<16xf32>
      %parallel_loop3A_302 = arith.subf %parallel_loop3A_297, %parallel_loop3A_301 : vector<16xf32>
      %parallel_loop3A_303 = arith.mulf %parallel_loop3A_302, %parallel_loop3A_302 : vector<16xf32>
      %parallel_loop3A_304 = arith.addf %parallel_loop3A_226, %parallel_loop3A_303 : vector<16xf32>
      %parallel_loop3A_305 = arith.index_cast %parallel_loop3A_219 : i32 to index
      %parallel_loop3A_306 = arith.constant 112 : index
      %parallel_loop3A_307 = tpu.vector_load %arg9[%parallel_loop3A_305, %parallel_loop3A_306] {strides = array<i32>} : memref<64x128xf32, #tpu.memory_space<vmem>>, vector<1x16xf32>,
      %parallel_loop3A_308 = vector.shape_cast %parallel_loop3A_307 : vector<1x16xf32> to vector<16xf32>
      %parallel_loop3A_309 = arith.index_cast %parallel_loop3A_219 : i32 to index
      %parallel_loop3A_310 = arith.constant 112 : index
      %parallel_loop3A_311 = tpu.vector_load %arg12[%parallel_loop3A_309, %parallel_loop3A_310] {strides = array<i32>} : memref<64x128xf32, #tpu.memory_space<vmem>>, vector<1x16xf32>,
      %parallel_loop3A_312 = vector.shape_cast %parallel_loop3A_311 : vector<1x16xf32> to vector<16xf32>
      %parallel_loop3A_313 = arith.subf %parallel_loop3A_308, %parallel_loop3A_312 : vector<16xf32>
      %parallel_loop3A_314 = arith.mulf %parallel_loop3A_313, %parallel_loop3A_313 : vector<16xf32>
      %parallel_loop3A_315 = arith.addf %parallel_loop3A_227, %parallel_loop3A_314 : vector<16xf32>
      scf.yield %parallel_loop3A_238, %parallel_loop3A_249, %parallel_loop3A_260, %parallel_loop3A_271, %parallel_loop3A_282, %parallel_loop3A_293, %parallel_loop3A_304, %parallel_loop3A_315 : vector<16xf32>, vector<16xf32>, vector<16xf32>, vector<16xf32>, vector<16xf32>, vector<16xf32>, vector<16xf32>, vector<16xf32>
    } {sc.loop_unroll_factor = 8 : i64, sc.parallel_access}
    %dma_start3A_111 = arith.constant 320 : i32
    %dma_start3A_112 = tpu.memref_slice %arg6[%dma_start3A_111] : memref<512xi32, #tpu.memory_space<vmem>> -> memref<64xi32, #tpu.memory_space<vmem>>
    %dma_start3A_113 = arith.constant 0 : i32
    %dma_start3A_114 = arith.constant 0 : i32
    %dma_start3A_115 = tpu.memref_slice %arg4[%dma_start3A_113, %dma_start3A_114] : memref<100000x128xf32, #tpu.memory_space<hbm>> -> memref<100000x128xf32, #tpu.memory_space<hbm>>
    tpu.enqueue_indirect_dma source(%dma_start3A_115 : memref<100000x128xf32, #tpu.memory_space<hbm>>) target(%arg9 : memref<64x128xf32, #tpu.memory_space<vmem>>) offsets(%dma_start3A_112 : memref<64xi32, #tpu.memory_space<vmem>>) semaphore(%arg16 : memref<!tpu.dma_semaphore, #tpu.memory_space<semaphore_mem>>)
    %add3A_116 = arith.constant 320 : i32
    %add3A_117 = arith.addi %mul3A_2, %add3A_116 : i32
    %dma_start3A_118 = arith.constant 0 : i32
    %dma_start3A_119 = tpu.memref_slice %arg2[%add3A_117, %dma_start3A_118] : memref<16384x128xf32, #tpu.memory_space<hbm>> -> memref<64x128xf32, #tpu.memory_space<hbm>>
    %dma_start3A_120 = arith.constant 0 : i32
    %dma_start3A_121 = tpu.memref_slice %arg2[%add3A_117, %dma_start3A_120] : memref<16384x128xf32, #tpu.memory_space<hbm>> -> memref<64x128xf32, #tpu.memory_space<hbm>>
    tpu.enqueue_dma source(%dma_start3A_121 : memref<64x128xf32, #tpu.memory_space<hbm>>) target(%arg12 : memref<64x128xf32, #tpu.memory_space<vmem>>) target_semaphore(%arg19 : memref<!tpu.dma_semaphore, #tpu.memory_space<semaphore_mem>>)
    %dma_wait3A_122 = arith.constant 192 : i32
    %dma_wait3A_123 = tpu.memref_slice %arg6[%dma_wait3A_122] : memref<512xi32, #tpu.memory_space<vmem>> -> memref<64xi32, #tpu.memory_space<vmem>>
    %dma_wait3A_124 = arith.constant 0 : i32
    %dma_wait3A_125 = arith.constant 0 : i32
    %dma_wait3A_126 = tpu.memref_slice %arg4[%dma_wait3A_124, %dma_wait3A_125] : memref<100000x128xf32, #tpu.memory_space<hbm>> -> memref<100000x128xf32, #tpu.memory_space<hbm>>
    tpu.wait_indirect_dma semaphore(%arg14 : memref<!tpu.dma_semaphore, #tpu.memory_space<semaphore_mem>>) src(%dma_wait3A_126 : memref<100000x128xf32, #tpu.memory_space<hbm>>) dst(%arg7 : memref<64x128xf32, #tpu.memory_space<vmem>>)
    %dma_wait3A_127 = arith.constant 0 : i32
    %dma_wait3A_128 = tpu.memref_slice %arg2[%add3A_69, %dma_wait3A_127] : memref<16384x128xf32, #tpu.memory_space<hbm>> -> memref<64x128xf32, #tpu.memory_space<hbm>>
    %dma_wait3A_129 = arith.constant 0 : i32
    %dma_wait3A_130 = tpu.memref_slice %arg2[%add3A_69, %dma_wait3A_129] : memref<16384x128xf32, #tpu.memory_space<hbm>> -> memref<64x128xf32, #tpu.memory_space<hbm>>
    tpu.wait_dma2 semaphore(%arg17 : memref<!tpu.dma_semaphore, #tpu.memory_space<semaphore_mem>>) src(%dma_wait3A_130 : memref<64x128xf32, #tpu.memory_space<hbm>>) dst(%arg10 : memref<64x128xf32, #tpu.memory_space<vmem>>)
    %parallel_loop3A_131 = arith.constant 0 : i32
    %parallel_loop3A_132 = arith.constant 64 : i32
    %parallel_loop3A_133 = arith.constant 1 : i32
    %parallel_loop3A_134:8 = scf.for %parallel_loop3A_219 = %parallel_loop3A_131 to %parallel_loop3A_132 step %parallel_loop3A_133 iter_args(%parallel_loop3A_220 = %parallel_loop3A_110#0, %parallel_loop3A_221 = %parallel_loop3A_110#1, %parallel_loop3A_222 = %parallel_loop3A_110#2, %parallel_loop3A_223 = %parallel_loop3A_110#3, %parallel_loop3A_224 = %parallel_loop3A_110#4, %parallel_loop3A_225 = %parallel_loop3A_110#5, %parallel_loop3A_226 = %parallel_loop3A_110#6, %parallel_loop3A_227 = %parallel_loop3A_110#7) -> (vector<16xf32>, vector<16xf32>, vector<16xf32>, vector<16xf32>, vector<16xf32>, vector<16xf32>, vector<16xf32>, vector<16xf32>)  : i32 {
      %parallel_loop3A_228 = arith.index_cast %parallel_loop3A_219 : i32 to index
      %parallel_loop3A_229 = arith.constant 0 : index
      %parallel_loop3A_230 = tpu.vector_load %arg7[%parallel_loop3A_228, %parallel_loop3A_229] {strides = array<i32>} : memref<64x128xf32, #tpu.memory_space<vmem>>, vector<1x16xf32>,
      %parallel_loop3A_231 = vector.shape_cast %parallel_loop3A_230 : vector<1x16xf32> to vector<16xf32>
      %parallel_loop3A_232 = arith.index_cast %parallel_loop3A_219 : i32 to index
      %parallel_loop3A_233 = arith.constant 0 : index
      %parallel_loop3A_234 = tpu.vector_load %arg10[%parallel_loop3A_232, %parallel_loop3A_233] {strides = array<i32>} : memref<64x128xf32, #tpu.memory_space<vmem>>, vector<1x16xf32>,
      %parallel_loop3A_235 = vector.shape_cast %parallel_loop3A_234 : vector<1x16xf32> to vector<16xf32>
      %parallel_loop3A_236 = arith.subf %parallel_loop3A_231, %parallel_loop3A_235 : vector<16xf32>
      %parallel_loop3A_237 = arith.mulf %parallel_loop3A_236, %parallel_loop3A_236 : vector<16xf32>
      %parallel_loop3A_238 = arith.addf %parallel_loop3A_220, %parallel_loop3A_237 : vector<16xf32>
      %parallel_loop3A_239 = arith.index_cast %parallel_loop3A_219 : i32 to index
      %parallel_loop3A_240 = arith.constant 16 : index
      %parallel_loop3A_241 = tpu.vector_load %arg7[%parallel_loop3A_239, %parallel_loop3A_240] {strides = array<i32>} : memref<64x128xf32, #tpu.memory_space<vmem>>, vector<1x16xf32>,
      %parallel_loop3A_242 = vector.shape_cast %parallel_loop3A_241 : vector<1x16xf32> to vector<16xf32>
      %parallel_loop3A_243 = arith.index_cast %parallel_loop3A_219 : i32 to index
      %parallel_loop3A_244 = arith.constant 16 : index
      %parallel_loop3A_245 = tpu.vector_load %arg10[%parallel_loop3A_243, %parallel_loop3A_244] {strides = array<i32>} : memref<64x128xf32, #tpu.memory_space<vmem>>, vector<1x16xf32>,
      %parallel_loop3A_246 = vector.shape_cast %parallel_loop3A_245 : vector<1x16xf32> to vector<16xf32>
      %parallel_loop3A_247 = arith.subf %parallel_loop3A_242, %parallel_loop3A_246 : vector<16xf32>
      %parallel_loop3A_248 = arith.mulf %parallel_loop3A_247, %parallel_loop3A_247 : vector<16xf32>
      %parallel_loop3A_249 = arith.addf %parallel_loop3A_221, %parallel_loop3A_248 : vector<16xf32>
      %parallel_loop3A_250 = arith.index_cast %parallel_loop3A_219 : i32 to index
      %parallel_loop3A_251 = arith.constant 32 : index
      %parallel_loop3A_252 = tpu.vector_load %arg7[%parallel_loop3A_250, %parallel_loop3A_251] {strides = array<i32>} : memref<64x128xf32, #tpu.memory_space<vmem>>, vector<1x16xf32>,
      %parallel_loop3A_253 = vector.shape_cast %parallel_loop3A_252 : vector<1x16xf32> to vector<16xf32>
      %parallel_loop3A_254 = arith.index_cast %parallel_loop3A_219 : i32 to index
      %parallel_loop3A_255 = arith.constant 32 : index
      %parallel_loop3A_256 = tpu.vector_load %arg10[%parallel_loop3A_254, %parallel_loop3A_255] {strides = array<i32>} : memref<64x128xf32, #tpu.memory_space<vmem>>, vector<1x16xf32>,
      %parallel_loop3A_257 = vector.shape_cast %parallel_loop3A_256 : vector<1x16xf32> to vector<16xf32>
      %parallel_loop3A_258 = arith.subf %parallel_loop3A_253, %parallel_loop3A_257 : vector<16xf32>
      %parallel_loop3A_259 = arith.mulf %parallel_loop3A_258, %parallel_loop3A_258 : vector<16xf32>
      %parallel_loop3A_260 = arith.addf %parallel_loop3A_222, %parallel_loop3A_259 : vector<16xf32>
      %parallel_loop3A_261 = arith.index_cast %parallel_loop3A_219 : i32 to index
      %parallel_loop3A_262 = arith.constant 48 : index
      %parallel_loop3A_263 = tpu.vector_load %arg7[%parallel_loop3A_261, %parallel_loop3A_262] {strides = array<i32>} : memref<64x128xf32, #tpu.memory_space<vmem>>, vector<1x16xf32>,
      %parallel_loop3A_264 = vector.shape_cast %parallel_loop3A_263 : vector<1x16xf32> to vector<16xf32>
      %parallel_loop3A_265 = arith.index_cast %parallel_loop3A_219 : i32 to index
      %parallel_loop3A_266 = arith.constant 48 : index
      %parallel_loop3A_267 = tpu.vector_load %arg10[%parallel_loop3A_265, %parallel_loop3A_266] {strides = array<i32>} : memref<64x128xf32, #tpu.memory_space<vmem>>, vector<1x16xf32>,
      %parallel_loop3A_268 = vector.shape_cast %parallel_loop3A_267 : vector<1x16xf32> to vector<16xf32>
      %parallel_loop3A_269 = arith.subf %parallel_loop3A_264, %parallel_loop3A_268 : vector<16xf32>
      %parallel_loop3A_270 = arith.mulf %parallel_loop3A_269, %parallel_loop3A_269 : vector<16xf32>
      %parallel_loop3A_271 = arith.addf %parallel_loop3A_223, %parallel_loop3A_270 : vector<16xf32>
      %parallel_loop3A_272 = arith.index_cast %parallel_loop3A_219 : i32 to index
      %parallel_loop3A_273 = arith.constant 64 : index
      %parallel_loop3A_274 = tpu.vector_load %arg7[%parallel_loop3A_272, %parallel_loop3A_273] {strides = array<i32>} : memref<64x128xf32, #tpu.memory_space<vmem>>, vector<1x16xf32>,
      %parallel_loop3A_275 = vector.shape_cast %parallel_loop3A_274 : vector<1x16xf32> to vector<16xf32>
      %parallel_loop3A_276 = arith.index_cast %parallel_loop3A_219 : i32 to index
      %parallel_loop3A_277 = arith.constant 64 : index
      %parallel_loop3A_278 = tpu.vector_load %arg10[%parallel_loop3A_276, %parallel_loop3A_277] {strides = array<i32>} : memref<64x128xf32, #tpu.memory_space<vmem>>, vector<1x16xf32>,
      %parallel_loop3A_279 = vector.shape_cast %parallel_loop3A_278 : vector<1x16xf32> to vector<16xf32>
      %parallel_loop3A_280 = arith.subf %parallel_loop3A_275, %parallel_loop3A_279 : vector<16xf32>
      %parallel_loop3A_281 = arith.mulf %parallel_loop3A_280, %parallel_loop3A_280 : vector<16xf32>
      %parallel_loop3A_282 = arith.addf %parallel_loop3A_224, %parallel_loop3A_281 : vector<16xf32>
      %parallel_loop3A_283 = arith.index_cast %parallel_loop3A_219 : i32 to index
      %parallel_loop3A_284 = arith.constant 80 : index
      %parallel_loop3A_285 = tpu.vector_load %arg7[%parallel_loop3A_283, %parallel_loop3A_284] {strides = array<i32>} : memref<64x128xf32, #tpu.memory_space<vmem>>, vector<1x16xf32>,
      %parallel_loop3A_286 = vector.shape_cast %parallel_loop3A_285 : vector<1x16xf32> to vector<16xf32>
      %parallel_loop3A_287 = arith.index_cast %parallel_loop3A_219 : i32 to index
      %parallel_loop3A_288 = arith.constant 80 : index
      %parallel_loop3A_289 = tpu.vector_load %arg10[%parallel_loop3A_287, %parallel_loop3A_288] {strides = array<i32>} : memref<64x128xf32, #tpu.memory_space<vmem>>, vector<1x16xf32>,
      %parallel_loop3A_290 = vector.shape_cast %parallel_loop3A_289 : vector<1x16xf32> to vector<16xf32>
      %parallel_loop3A_291 = arith.subf %parallel_loop3A_286, %parallel_loop3A_290 : vector<16xf32>
      %parallel_loop3A_292 = arith.mulf %parallel_loop3A_291, %parallel_loop3A_291 : vector<16xf32>
      %parallel_loop3A_293 = arith.addf %parallel_loop3A_225, %parallel_loop3A_292 : vector<16xf32>
      %parallel_loop3A_294 = arith.index_cast %parallel_loop3A_219 : i32 to index
      %parallel_loop3A_295 = arith.constant 96 : index
      %parallel_loop3A_296 = tpu.vector_load %arg7[%parallel_loop3A_294, %parallel_loop3A_295] {strides = array<i32>} : memref<64x128xf32, #tpu.memory_space<vmem>>, vector<1x16xf32>,
      %parallel_loop3A_297 = vector.shape_cast %parallel_loop3A_296 : vector<1x16xf32> to vector<16xf32>
      %parallel_loop3A_298 = arith.index_cast %parallel_loop3A_219 : i32 to index
      %parallel_loop3A_299 = arith.constant 96 : index
      %parallel_loop3A_300 = tpu.vector_load %arg10[%parallel_loop3A_298, %parallel_loop3A_299] {strides = array<i32>} : memref<64x128xf32, #tpu.memory_space<vmem>>, vector<1x16xf32>,
      %parallel_loop3A_301 = vector.shape_cast %parallel_loop3A_300 : vector<1x16xf32> to vector<16xf32>
      %parallel_loop3A_302 = arith.subf %parallel_loop3A_297, %parallel_loop3A_301 : vector<16xf32>
      %parallel_loop3A_303 = arith.mulf %parallel_loop3A_302, %parallel_loop3A_302 : vector<16xf32>
      %parallel_loop3A_304 = arith.addf %parallel_loop3A_226, %parallel_loop3A_303 : vector<16xf32>
      %parallel_loop3A_305 = arith.index_cast %parallel_loop3A_219 : i32 to index
      %parallel_loop3A_306 = arith.constant 112 : index
      %parallel_loop3A_307 = tpu.vector_load %arg7[%parallel_loop3A_305, %parallel_loop3A_306] {strides = array<i32>} : memref<64x128xf32, #tpu.memory_space<vmem>>, vector<1x16xf32>,
      %parallel_loop3A_308 = vector.shape_cast %parallel_loop3A_307 : vector<1x16xf32> to vector<16xf32>
      %parallel_loop3A_309 = arith.index_cast %parallel_loop3A_219 : i32 to index
      %parallel_loop3A_310 = arith.constant 112 : index
      %parallel_loop3A_311 = tpu.vector_load %arg10[%parallel_loop3A_309, %parallel_loop3A_310] {strides = array<i32>} : memref<64x128xf32, #tpu.memory_space<vmem>>, vector<1x16xf32>,
      %parallel_loop3A_312 = vector.shape_cast %parallel_loop3A_311 : vector<1x16xf32> to vector<16xf32>
      %parallel_loop3A_313 = arith.subf %parallel_loop3A_308, %parallel_loop3A_312 : vector<16xf32>
      %parallel_loop3A_314 = arith.mulf %parallel_loop3A_313, %parallel_loop3A_313 : vector<16xf32>
      %parallel_loop3A_315 = arith.addf %parallel_loop3A_227, %parallel_loop3A_314 : vector<16xf32>
      scf.yield %parallel_loop3A_238, %parallel_loop3A_249, %parallel_loop3A_260, %parallel_loop3A_271, %parallel_loop3A_282, %parallel_loop3A_293, %parallel_loop3A_304, %parallel_loop3A_315 : vector<16xf32>, vector<16xf32>, vector<16xf32>, vector<16xf32>, vector<16xf32>, vector<16xf32>, vector<16xf32>, vector<16xf32>
    } {sc.loop_unroll_factor = 8 : i64, sc.parallel_access}
    %dma_start3A_135 = arith.constant 384 : i32
    %dma_start3A_136 = tpu.memref_slice %arg6[%dma_start3A_135] : memref<512xi32, #tpu.memory_space<vmem>> -> memref<64xi32, #tpu.memory_space<vmem>>
    %dma_start3A_137 = arith.constant 0 : i32
    %dma_start3A_138 = arith.constant 0 : i32
    %dma_start3A_139 = tpu.memref_slice %arg4[%dma_start3A_137, %dma_start3A_138] : memref<100000x128xf32, #tpu.memory_space<hbm>> -> memref<100000x128xf32, #tpu.memory_space<hbm>>
    tpu.enqueue_indirect_dma source(%dma_start3A_139 : memref<100000x128xf32, #tpu.memory_space<hbm>>) target(%arg7 : memref<64x128xf32, #tpu.memory_space<vmem>>) offsets(%dma_start3A_136 : memref<64xi32, #tpu.memory_space<vmem>>) semaphore(%arg14 : memref<!tpu.dma_semaphore, #tpu.memory_space<semaphore_mem>>)
    %add3A_140 = arith.constant 384 : i32
    %add3A_141 = arith.addi %mul3A_2, %add3A_140 : i32
    %dma_start3A_142 = arith.constant 0 : i32
    %dma_start3A_143 = tpu.memref_slice %arg2[%add3A_141, %dma_start3A_142] : memref<16384x128xf32, #tpu.memory_space<hbm>> -> memref<64x128xf32, #tpu.memory_space<hbm>>
    %dma_start3A_144 = arith.constant 0 : i32
    %dma_start3A_145 = tpu.memref_slice %arg2[%add3A_141, %dma_start3A_144] : memref<16384x128xf32, #tpu.memory_space<hbm>> -> memref<64x128xf32, #tpu.memory_space<hbm>>
    tpu.enqueue_dma source(%dma_start3A_145 : memref<64x128xf32, #tpu.memory_space<hbm>>) target(%arg10 : memref<64x128xf32, #tpu.memory_space<vmem>>) target_semaphore(%arg17 : memref<!tpu.dma_semaphore, #tpu.memory_space<semaphore_mem>>)
    %dma_wait3A_146 = arith.constant 256 : i32
    %dma_wait3A_147 = tpu.memref_slice %arg6[%dma_wait3A_146] : memref<512xi32, #tpu.memory_space<vmem>> -> memref<64xi32, #tpu.memory_space<vmem>>
    %dma_wait3A_148 = arith.constant 0 : i32
    %dma_wait3A_149 = arith.constant 0 : i32
    %dma_wait3A_150 = tpu.memref_slice %arg4[%dma_wait3A_148, %dma_wait3A_149] : memref<100000x128xf32, #tpu.memory_space<hbm>> -> memref<100000x128xf32, #tpu.memory_space<hbm>>
    tpu.wait_indirect_dma semaphore(%arg15 : memref<!tpu.dma_semaphore, #tpu.memory_space<semaphore_mem>>) src(%dma_wait3A_150 : memref<100000x128xf32, #tpu.memory_space<hbm>>) dst(%arg8 : memref<64x128xf32, #tpu.memory_space<vmem>>)
    %dma_wait3A_151 = arith.constant 0 : i32
    %dma_wait3A_152 = tpu.memref_slice %arg2[%add3A_93, %dma_wait3A_151] : memref<16384x128xf32, #tpu.memory_space<hbm>> -> memref<64x128xf32, #tpu.memory_space<hbm>>
    %dma_wait3A_153 = arith.constant 0 : i32
    %dma_wait3A_154 = tpu.memref_slice %arg2[%add3A_93, %dma_wait3A_153] : memref<16384x128xf32, #tpu.memory_space<hbm>> -> memref<64x128xf32, #tpu.memory_space<hbm>>
    tpu.wait_dma2 semaphore(%arg18 : memref<!tpu.dma_semaphore, #tpu.memory_space<semaphore_mem>>) src(%dma_wait3A_154 : memref<64x128xf32, #tpu.memory_space<hbm>>) dst(%arg11 : memref<64x128xf32, #tpu.memory_space<vmem>>)
    %parallel_loop3A_155 = arith.constant 0 : i32
    %parallel_loop3A_156 = arith.constant 64 : i32
    %parallel_loop3A_157 = arith.constant 1 : i32
    %parallel_loop3A_158:8 = scf.for %parallel_loop3A_219 = %parallel_loop3A_155 to %parallel_loop3A_156 step %parallel_loop3A_157 iter_args(%parallel_loop3A_220 = %parallel_loop3A_134#0, %parallel_loop3A_221 = %parallel_loop3A_134#1, %parallel_loop3A_222 = %parallel_loop3A_134#2, %parallel_loop3A_223 = %parallel_loop3A_134#3, %parallel_loop3A_224 = %parallel_loop3A_134#4, %parallel_loop3A_225 = %parallel_loop3A_134#5, %parallel_loop3A_226 = %parallel_loop3A_134#6, %parallel_loop3A_227 = %parallel_loop3A_134#7) -> (vector<16xf32>, vector<16xf32>, vector<16xf32>, vector<16xf32>, vector<16xf32>, vector<16xf32>, vector<16xf32>, vector<16xf32>)  : i32 {
      %parallel_loop3A_228 = arith.index_cast %parallel_loop3A_219 : i32 to index
      %parallel_loop3A_229 = arith.constant 0 : index
      %parallel_loop3A_230 = tpu.vector_load %arg8[%parallel_loop3A_228, %parallel_loop3A_229] {strides = array<i32>} : memref<64x128xf32, #tpu.memory_space<vmem>>, vector<1x16xf32>,
      %parallel_loop3A_231 = vector.shape_cast %parallel_loop3A_230 : vector<1x16xf32> to vector<16xf32>
      %parallel_loop3A_232 = arith.index_cast %parallel_loop3A_219 : i32 to index
      %parallel_loop3A_233 = arith.constant 0 : index
      %parallel_loop3A_234 = tpu.vector_load %arg11[%parallel_loop3A_232, %parallel_loop3A_233] {strides = array<i32>} : memref<64x128xf32, #tpu.memory_space<vmem>>, vector<1x16xf32>,
      %parallel_loop3A_235 = vector.shape_cast %parallel_loop3A_234 : vector<1x16xf32> to vector<16xf32>
      %parallel_loop3A_236 = arith.subf %parallel_loop3A_231, %parallel_loop3A_235 : vector<16xf32>
      %parallel_loop3A_237 = arith.mulf %parallel_loop3A_236, %parallel_loop3A_236 : vector<16xf32>
      %parallel_loop3A_238 = arith.addf %parallel_loop3A_220, %parallel_loop3A_237 : vector<16xf32>
      %parallel_loop3A_239 = arith.index_cast %parallel_loop3A_219 : i32 to index
      %parallel_loop3A_240 = arith.constant 16 : index
      %parallel_loop3A_241 = tpu.vector_load %arg8[%parallel_loop3A_239, %parallel_loop3A_240] {strides = array<i32>} : memref<64x128xf32, #tpu.memory_space<vmem>>, vector<1x16xf32>,
      %parallel_loop3A_242 = vector.shape_cast %parallel_loop3A_241 : vector<1x16xf32> to vector<16xf32>
      %parallel_loop3A_243 = arith.index_cast %parallel_loop3A_219 : i32 to index
      %parallel_loop3A_244 = arith.constant 16 : index
      %parallel_loop3A_245 = tpu.vector_load %arg11[%parallel_loop3A_243, %parallel_loop3A_244] {strides = array<i32>} : memref<64x128xf32, #tpu.memory_space<vmem>>, vector<1x16xf32>,
      %parallel_loop3A_246 = vector.shape_cast %parallel_loop3A_245 : vector<1x16xf32> to vector<16xf32>
      %parallel_loop3A_247 = arith.subf %parallel_loop3A_242, %parallel_loop3A_246 : vector<16xf32>
      %parallel_loop3A_248 = arith.mulf %parallel_loop3A_247, %parallel_loop3A_247 : vector<16xf32>
      %parallel_loop3A_249 = arith.addf %parallel_loop3A_221, %parallel_loop3A_248 : vector<16xf32>
      %parallel_loop3A_250 = arith.index_cast %parallel_loop3A_219 : i32 to index
      %parallel_loop3A_251 = arith.constant 32 : index
      %parallel_loop3A_252 = tpu.vector_load %arg8[%parallel_loop3A_250, %parallel_loop3A_251] {strides = array<i32>} : memref<64x128xf32, #tpu.memory_space<vmem>>, vector<1x16xf32>,
      %parallel_loop3A_253 = vector.shape_cast %parallel_loop3A_252 : vector<1x16xf32> to vector<16xf32>
      %parallel_loop3A_254 = arith.index_cast %parallel_loop3A_219 : i32 to index
      %parallel_loop3A_255 = arith.constant 32 : index
      %parallel_loop3A_256 = tpu.vector_load %arg11[%parallel_loop3A_254, %parallel_loop3A_255] {strides = array<i32>} : memref<64x128xf32, #tpu.memory_space<vmem>>, vector<1x16xf32>,
      %parallel_loop3A_257 = vector.shape_cast %parallel_loop3A_256 : vector<1x16xf32> to vector<16xf32>
      %parallel_loop3A_258 = arith.subf %parallel_loop3A_253, %parallel_loop3A_257 : vector<16xf32>
      %parallel_loop3A_259 = arith.mulf %parallel_loop3A_258, %parallel_loop3A_258 : vector<16xf32>
      %parallel_loop3A_260 = arith.addf %parallel_loop3A_222, %parallel_loop3A_259 : vector<16xf32>
      %parallel_loop3A_261 = arith.index_cast %parallel_loop3A_219 : i32 to index
      %parallel_loop3A_262 = arith.constant 48 : index
      %parallel_loop3A_263 = tpu.vector_load %arg8[%parallel_loop3A_261, %parallel_loop3A_262] {strides = array<i32>} : memref<64x128xf32, #tpu.memory_space<vmem>>, vector<1x16xf32>,
      %parallel_loop3A_264 = vector.shape_cast %parallel_loop3A_263 : vector<1x16xf32> to vector<16xf32>
      %parallel_loop3A_265 = arith.index_cast %parallel_loop3A_219 : i32 to index
      %parallel_loop3A_266 = arith.constant 48 : index
      %parallel_loop3A_267 = tpu.vector_load %arg11[%parallel_loop3A_265, %parallel_loop3A_266] {strides = array<i32>} : memref<64x128xf32, #tpu.memory_space<vmem>>, vector<1x16xf32>,
      %parallel_loop3A_268 = vector.shape_cast %parallel_loop3A_267 : vector<1x16xf32> to vector<16xf32>
      %parallel_loop3A_269 = arith.subf %parallel_loop3A_264, %parallel_loop3A_268 : vector<16xf32>
      %parallel_loop3A_270 = arith.mulf %parallel_loop3A_269, %parallel_loop3A_269 : vector<16xf32>
      %parallel_loop3A_271 = arith.addf %parallel_loop3A_223, %parallel_loop3A_270 : vector<16xf32>
      %parallel_loop3A_272 = arith.index_cast %parallel_loop3A_219 : i32 to index
      %parallel_loop3A_273 = arith.constant 64 : index
      %parallel_loop3A_274 = tpu.vector_load %arg8[%parallel_loop3A_272, %parallel_loop3A_273] {strides = array<i32>} : memref<64x128xf32, #tpu.memory_space<vmem>>, vector<1x16xf32>,
      %parallel_loop3A_275 = vector.shape_cast %parallel_loop3A_274 : vector<1x16xf32> to vector<16xf32>
      %parallel_loop3A_276 = arith.index_cast %parallel_loop3A_219 : i32 to index
      %parallel_loop3A_277 = arith.constant 64 : index
      %parallel_loop3A_278 = tpu.vector_load %arg11[%parallel_loop3A_276, %parallel_loop3A_277] {strides = array<i32>} : memref<64x128xf32, #tpu.memory_space<vmem>>, vector<1x16xf32>,
      %parallel_loop3A_279 = vector.shape_cast %parallel_loop3A_278 : vector<1x16xf32> to vector<16xf32>
      %parallel_loop3A_280 = arith.subf %parallel_loop3A_275, %parallel_loop3A_279 : vector<16xf32>
      %parallel_loop3A_281 = arith.mulf %parallel_loop3A_280, %parallel_loop3A_280 : vector<16xf32>
      %parallel_loop3A_282 = arith.addf %parallel_loop3A_224, %parallel_loop3A_281 : vector<16xf32>
      %parallel_loop3A_283 = arith.index_cast %parallel_loop3A_219 : i32 to index
      %parallel_loop3A_284 = arith.constant 80 : index
      %parallel_loop3A_285 = tpu.vector_load %arg8[%parallel_loop3A_283, %parallel_loop3A_284] {strides = array<i32>} : memref<64x128xf32, #tpu.memory_space<vmem>>, vector<1x16xf32>,
      %parallel_loop3A_286 = vector.shape_cast %parallel_loop3A_285 : vector<1x16xf32> to vector<16xf32>
      %parallel_loop3A_287 = arith.index_cast %parallel_loop3A_219 : i32 to index
      %parallel_loop3A_288 = arith.constant 80 : index
      %parallel_loop3A_289 = tpu.vector_load %arg11[%parallel_loop3A_287, %parallel_loop3A_288] {strides = array<i32>} : memref<64x128xf32, #tpu.memory_space<vmem>>, vector<1x16xf32>,
      %parallel_loop3A_290 = vector.shape_cast %parallel_loop3A_289 : vector<1x16xf32> to vector<16xf32>
      %parallel_loop3A_291 = arith.subf %parallel_loop3A_286, %parallel_loop3A_290 : vector<16xf32>
      %parallel_loop3A_292 = arith.mulf %parallel_loop3A_291, %parallel_loop3A_291 : vector<16xf32>
      %parallel_loop3A_293 = arith.addf %parallel_loop3A_225, %parallel_loop3A_292 : vector<16xf32>
      %parallel_loop3A_294 = arith.index_cast %parallel_loop3A_219 : i32 to index
      %parallel_loop3A_295 = arith.constant 96 : index
      %parallel_loop3A_296 = tpu.vector_load %arg8[%parallel_loop3A_294, %parallel_loop3A_295] {strides = array<i32>} : memref<64x128xf32, #tpu.memory_space<vmem>>, vector<1x16xf32>,
      %parallel_loop3A_297 = vector.shape_cast %parallel_loop3A_296 : vector<1x16xf32> to vector<16xf32>
      %parallel_loop3A_298 = arith.index_cast %parallel_loop3A_219 : i32 to index
      %parallel_loop3A_299 = arith.constant 96 : index
      %parallel_loop3A_300 = tpu.vector_load %arg11[%parallel_loop3A_298, %parallel_loop3A_299] {strides = array<i32>} : memref<64x128xf32, #tpu.memory_space<vmem>>, vector<1x16xf32>,
      %parallel_loop3A_301 = vector.shape_cast %parallel_loop3A_300 : vector<1x16xf32> to vector<16xf32>
      %parallel_loop3A_302 = arith.subf %parallel_loop3A_297, %parallel_loop3A_301 : vector<16xf32>
      %parallel_loop3A_303 = arith.mulf %parallel_loop3A_302, %parallel_loop3A_302 : vector<16xf32>
      %parallel_loop3A_304 = arith.addf %parallel_loop3A_226, %parallel_loop3A_303 : vector<16xf32>
      %parallel_loop3A_305 = arith.index_cast %parallel_loop3A_219 : i32 to index
      %parallel_loop3A_306 = arith.constant 112 : index
      %parallel_loop3A_307 = tpu.vector_load %arg8[%parallel_loop3A_305, %parallel_loop3A_306] {strides = array<i32>} : memref<64x128xf32, #tpu.memory_space<vmem>>, vector<1x16xf32>,
      %parallel_loop3A_308 = vector.shape_cast %parallel_loop3A_307 : vector<1x16xf32> to vector<16xf32>
      %parallel_loop3A_309 = arith.index_cast %parallel_loop3A_219 : i32 to index
      %parallel_loop3A_310 = arith.constant 112 : index
      %parallel_loop3A_311 = tpu.vector_load %arg11[%parallel_loop3A_309, %parallel_loop3A_310] {strides = array<i32>} : memref<64x128xf32, #tpu.memory_space<vmem>>, vector<1x16xf32>,
      %parallel_loop3A_312 = vector.shape_cast %parallel_loop3A_311 : vector<1x16xf32> to vector<16xf32>
      %parallel_loop3A_313 = arith.subf %parallel_loop3A_308, %parallel_loop3A_312 : vector<16xf32>
      %parallel_loop3A_314 = arith.mulf %parallel_loop3A_313, %parallel_loop3A_313 : vector<16xf32>
      %parallel_loop3A_315 = arith.addf %parallel_loop3A_227, %parallel_loop3A_314 : vector<16xf32>
      scf.yield %parallel_loop3A_238, %parallel_loop3A_249, %parallel_loop3A_260, %parallel_loop3A_271, %parallel_loop3A_282, %parallel_loop3A_293, %parallel_loop3A_304, %parallel_loop3A_315 : vector<16xf32>, vector<16xf32>, vector<16xf32>, vector<16xf32>, vector<16xf32>, vector<16xf32>, vector<16xf32>, vector<16xf32>
    } {sc.loop_unroll_factor = 8 : i64, sc.parallel_access}
    %dma_start3A_159 = arith.constant 448 : i32
    %dma_start3A_160 = tpu.memref_slice %arg6[%dma_start3A_159] : memref<512xi32, #tpu.memory_space<vmem>> -> memref<64xi32, #tpu.memory_space<vmem>>
    %dma_start3A_161 = arith.constant 0 : i32
    %dma_start3A_162 = arith.constant 0 : i32
    %dma_start3A_163 = tpu.memref_slice %arg4[%dma_start3A_161, %dma_start3A_162] : memref<100000x128xf32, #tpu.memory_space<hbm>> -> memref<100000x128xf32, #tpu.memory_space<hbm>>
    tpu.enqueue_indirect_dma source(%dma_start3A_163 : memref<100000x128xf32, #tpu.memory_space<hbm>>) target(%arg8 : memref<64x128xf32, #tpu.memory_space<vmem>>) offsets(%dma_start3A_160 : memref<64xi32, #tpu.memory_space<vmem>>) semaphore(%arg15 : memref<!tpu.dma_semaphore, #tpu.memory_space<semaphore_mem>>)
    %add3A_164 = arith.constant 448 : i32
    %add3A_165 = arith.addi %mul3A_2, %add3A_164 : i32
    %dma_start3A_166 = arith.constant 0 : i32
    %dma_start3A_167 = tpu.memref_slice %arg2[%add3A_165, %dma_start3A_166] : memref<16384x128xf32, #tpu.memory_space<hbm>> -> memref<64x128xf32, #tpu.memory_space<hbm>>
    %dma_start3A_168 = arith.constant 0 : i32
    %dma_start3A_169 = tpu.memref_slice %arg2[%add3A_165, %dma_start3A_168] : memref<16384x128xf32, #tpu.memory_space<hbm>> -> memref<64x128xf32, #tpu.memory_space<hbm>>
    tpu.enqueue_dma source(%dma_start3A_169 : memref<64x128xf32, #tpu.memory_space<hbm>>) target(%arg11 : memref<64x128xf32, #tpu.memory_space<vmem>>) target_semaphore(%arg18 : memref<!tpu.dma_semaphore, #tpu.memory_space<semaphore_mem>>)
    %dma_wait3A_170 = arith.constant 320 : i32
    %dma_wait3A_171 = tpu.memref_slice %arg6[%dma_wait3A_170] : memref<512xi32, #tpu.memory_space<vmem>> -> memref<64xi32, #tpu.memory_space<vmem>>
    %dma_wait3A_172 = arith.constant 0 : i32
    %dma_wait3A_173 = arith.constant 0 : i32
    %dma_wait3A_174 = tpu.memref_slice %arg4[%dma_wait3A_172, %dma_wait3A_173] : memref<100000x128xf32, #tpu.memory_space<hbm>> -> memref<100000x128xf32, #tpu.memory_space<hbm>>
    tpu.wait_indirect_dma semaphore(%arg16 : memref<!tpu.dma_semaphore, #tpu.memory_space<semaphore_mem>>) src(%dma_wait3A_174 : memref<100000x128xf32, #tpu.memory_space<hbm>>) dst(%arg9 : memref<64x128xf32, #tpu.memory_space<vmem>>)
    %dma_wait3A_175 = arith.constant 0 : i32
    %dma_wait3A_176 = tpu.memref_slice %arg2[%add3A_117, %dma_wait3A_175] : memref<16384x128xf32, #tpu.memory_space<hbm>> -> memref<64x128xf32, #tpu.memory_space<hbm>>
    %dma_wait3A_177 = arith.constant 0 : i32
    %dma_wait3A_178 = tpu.memref_slice %arg2[%add3A_117, %dma_wait3A_177] : memref<16384x128xf32, #tpu.memory_space<hbm>> -> memref<64x128xf32, #tpu.memory_space<hbm>>
    tpu.wait_dma2 semaphore(%arg19 : memref<!tpu.dma_semaphore, #tpu.memory_space<semaphore_mem>>) src(%dma_wait3A_178 : memref<64x128xf32, #tpu.memory_space<hbm>>) dst(%arg12 : memref<64x128xf32, #tpu.memory_space<vmem>>)
    %parallel_loop3A_179 = arith.constant 0 : i32
    %parallel_loop3A_180 = arith.constant 64 : i32
    %parallel_loop3A_181 = arith.constant 1 : i32
    %parallel_loop3A_182:8 = scf.for %parallel_loop3A_219 = %parallel_loop3A_179 to %parallel_loop3A_180 step %parallel_loop3A_181 iter_args(%parallel_loop3A_220 = %parallel_loop3A_158#0, %parallel_loop3A_221 = %parallel_loop3A_158#1, %parallel_loop3A_222 = %parallel_loop3A_158#2, %parallel_loop3A_223 = %parallel_loop3A_158#3, %parallel_loop3A_224 = %parallel_loop3A_158#4, %parallel_loop3A_225 = %parallel_loop3A_158#5, %parallel_loop3A_226 = %parallel_loop3A_158#6, %parallel_loop3A_227 = %parallel_loop3A_158#7) -> (vector<16xf32>, vector<16xf32>, vector<16xf32>, vector<16xf32>, vector<16xf32>, vector<16xf32>, vector<16xf32>, vector<16xf32>)  : i32 {
      %parallel_loop3A_228 = arith.index_cast %parallel_loop3A_219 : i32 to index
      %parallel_loop3A_229 = arith.constant 0 : index
      %parallel_loop3A_230 = tpu.vector_load %arg9[%parallel_loop3A_228, %parallel_loop3A_229] {strides = array<i32>} : memref<64x128xf32, #tpu.memory_space<vmem>>, vector<1x16xf32>,
      %parallel_loop3A_231 = vector.shape_cast %parallel_loop3A_230 : vector<1x16xf32> to vector<16xf32>
      %parallel_loop3A_232 = arith.index_cast %parallel_loop3A_219 : i32 to index
      %parallel_loop3A_233 = arith.constant 0 : index
      %parallel_loop3A_234 = tpu.vector_load %arg12[%parallel_loop3A_232, %parallel_loop3A_233] {strides = array<i32>} : memref<64x128xf32, #tpu.memory_space<vmem>>, vector<1x16xf32>,
      %parallel_loop3A_235 = vector.shape_cast %parallel_loop3A_234 : vector<1x16xf32> to vector<16xf32>
      %parallel_loop3A_236 = arith.subf %parallel_loop3A_231, %parallel_loop3A_235 : vector<16xf32>
      %parallel_loop3A_237 = arith.mulf %parallel_loop3A_236, %parallel_loop3A_236 : vector<16xf32>
      %parallel_loop3A_238 = arith.addf %parallel_loop3A_220, %parallel_loop3A_237 : vector<16xf32>
      %parallel_loop3A_239 = arith.index_cast %parallel_loop3A_219 : i32 to index
      %parallel_loop3A_240 = arith.constant 16 : index
      %parallel_loop3A_241 = tpu.vector_load %arg9[%parallel_loop3A_239, %parallel_loop3A_240] {strides = array<i32>} : memref<64x128xf32, #tpu.memory_space<vmem>>, vector<1x16xf32>,
      %parallel_loop3A_242 = vector.shape_cast %parallel_loop3A_241 : vector<1x16xf32> to vector<16xf32>
      %parallel_loop3A_243 = arith.index_cast %parallel_loop3A_219 : i32 to index
      %parallel_loop3A_244 = arith.constant 16 : index
      %parallel_loop3A_245 = tpu.vector_load %arg12[%parallel_loop3A_243, %parallel_loop3A_244] {strides = array<i32>} : memref<64x128xf32, #tpu.memory_space<vmem>>, vector<1x16xf32>,
      %parallel_loop3A_246 = vector.shape_cast %parallel_loop3A_245 : vector<1x16xf32> to vector<16xf32>
      %parallel_loop3A_247 = arith.subf %parallel_loop3A_242, %parallel_loop3A_246 : vector<16xf32>
      %parallel_loop3A_248 = arith.mulf %parallel_loop3A_247, %parallel_loop3A_247 : vector<16xf32>
      %parallel_loop3A_249 = arith.addf %parallel_loop3A_221, %parallel_loop3A_248 : vector<16xf32>
      %parallel_loop3A_250 = arith.index_cast %parallel_loop3A_219 : i32 to index
      %parallel_loop3A_251 = arith.constant 32 : index
      %parallel_loop3A_252 = tpu.vector_load %arg9[%parallel_loop3A_250, %parallel_loop3A_251] {strides = array<i32>} : memref<64x128xf32, #tpu.memory_space<vmem>>, vector<1x16xf32>,
      %parallel_loop3A_253 = vector.shape_cast %parallel_loop3A_252 : vector<1x16xf32> to vector<16xf32>
      %parallel_loop3A_254 = arith.index_cast %parallel_loop3A_219 : i32 to index
      %parallel_loop3A_255 = arith.constant 32 : index
      %parallel_loop3A_256 = tpu.vector_load %arg12[%parallel_loop3A_254, %parallel_loop3A_255] {strides = array<i32>} : memref<64x128xf32, #tpu.memory_space<vmem>>, vector<1x16xf32>,
      %parallel_loop3A_257 = vector.shape_cast %parallel_loop3A_256 : vector<1x16xf32> to vector<16xf32>
      %parallel_loop3A_258 = arith.subf %parallel_loop3A_253, %parallel_loop3A_257 : vector<16xf32>
      %parallel_loop3A_259 = arith.mulf %parallel_loop3A_258, %parallel_loop3A_258 : vector<16xf32>
      %parallel_loop3A_260 = arith.addf %parallel_loop3A_222, %parallel_loop3A_259 : vector<16xf32>
      %parallel_loop3A_261 = arith.index_cast %parallel_loop3A_219 : i32 to index
      %parallel_loop3A_262 = arith.constant 48 : index
      %parallel_loop3A_263 = tpu.vector_load %arg9[%parallel_loop3A_261, %parallel_loop3A_262] {strides = array<i32>} : memref<64x128xf32, #tpu.memory_space<vmem>>, vector<1x16xf32>,
      %parallel_loop3A_264 = vector.shape_cast %parallel_loop3A_263 : vector<1x16xf32> to vector<16xf32>
      %parallel_loop3A_265 = arith.index_cast %parallel_loop3A_219 : i32 to index
      %parallel_loop3A_266 = arith.constant 48 : index
      %parallel_loop3A_267 = tpu.vector_load %arg12[%parallel_loop3A_265, %parallel_loop3A_266] {strides = array<i32>} : memref<64x128xf32, #tpu.memory_space<vmem>>, vector<1x16xf32>,
      %parallel_loop3A_268 = vector.shape_cast %parallel_loop3A_267 : vector<1x16xf32> to vector<16xf32>
      %parallel_loop3A_269 = arith.subf %parallel_loop3A_264, %parallel_loop3A_268 : vector<16xf32>
      %parallel_loop3A_270 = arith.mulf %parallel_loop3A_269, %parallel_loop3A_269 : vector<16xf32>
      %parallel_loop3A_271 = arith.addf %parallel_loop3A_223, %parallel_loop3A_270 : vector<16xf32>
      %parallel_loop3A_272 = arith.index_cast %parallel_loop3A_219 : i32 to index
      %parallel_loop3A_273 = arith.constant 64 : index
      %parallel_loop3A_274 = tpu.vector_load %arg9[%parallel_loop3A_272, %parallel_loop3A_273] {strides = array<i32>} : memref<64x128xf32, #tpu.memory_space<vmem>>, vector<1x16xf32>,
      %parallel_loop3A_275 = vector.shape_cast %parallel_loop3A_274 : vector<1x16xf32> to vector<16xf32>
      %parallel_loop3A_276 = arith.index_cast %parallel_loop3A_219 : i32 to index
      %parallel_loop3A_277 = arith.constant 64 : index
      %parallel_loop3A_278 = tpu.vector_load %arg12[%parallel_loop3A_276, %parallel_loop3A_277] {strides = array<i32>} : memref<64x128xf32, #tpu.memory_space<vmem>>, vector<1x16xf32>,
      %parallel_loop3A_279 = vector.shape_cast %parallel_loop3A_278 : vector<1x16xf32> to vector<16xf32>
      %parallel_loop3A_280 = arith.subf %parallel_loop3A_275, %parallel_loop3A_279 : vector<16xf32>
      %parallel_loop3A_281 = arith.mulf %parallel_loop3A_280, %parallel_loop3A_280 : vector<16xf32>
      %parallel_loop3A_282 = arith.addf %parallel_loop3A_224, %parallel_loop3A_281 : vector<16xf32>
      %parallel_loop3A_283 = arith.index_cast %parallel_loop3A_219 : i32 to index
      %parallel_loop3A_284 = arith.constant 80 : index
      %parallel_loop3A_285 = tpu.vector_load %arg9[%parallel_loop3A_283, %parallel_loop3A_284] {strides = array<i32>} : memref<64x128xf32, #tpu.memory_space<vmem>>, vector<1x16xf32>,
      %parallel_loop3A_286 = vector.shape_cast %parallel_loop3A_285 : vector<1x16xf32> to vector<16xf32>
      %parallel_loop3A_287 = arith.index_cast %parallel_loop3A_219 : i32 to index
      %parallel_loop3A_288 = arith.constant 80 : index
      %parallel_loop3A_289 = tpu.vector_load %arg12[%parallel_loop3A_287, %parallel_loop3A_288] {strides = array<i32>} : memref<64x128xf32, #tpu.memory_space<vmem>>, vector<1x16xf32>,
      %parallel_loop3A_290 = vector.shape_cast %parallel_loop3A_289 : vector<1x16xf32> to vector<16xf32>
      %parallel_loop3A_291 = arith.subf %parallel_loop3A_286, %parallel_loop3A_290 : vector<16xf32>
      %parallel_loop3A_292 = arith.mulf %parallel_loop3A_291, %parallel_loop3A_291 : vector<16xf32>
      %parallel_loop3A_293 = arith.addf %parallel_loop3A_225, %parallel_loop3A_292 : vector<16xf32>
      %parallel_loop3A_294 = arith.index_cast %parallel_loop3A_219 : i32 to index
      %parallel_loop3A_295 = arith.constant 96 : index
      %parallel_loop3A_296 = tpu.vector_load %arg9[%parallel_loop3A_294, %parallel_loop3A_295] {strides = array<i32>} : memref<64x128xf32, #tpu.memory_space<vmem>>, vector<1x16xf32>,
      %parallel_loop3A_297 = vector.shape_cast %parallel_loop3A_296 : vector<1x16xf32> to vector<16xf32>
      %parallel_loop3A_298 = arith.index_cast %parallel_loop3A_219 : i32 to index
      %parallel_loop3A_299 = arith.constant 96 : index
      %parallel_loop3A_300 = tpu.vector_load %arg12[%parallel_loop3A_298, %parallel_loop3A_299] {strides = array<i32>} : memref<64x128xf32, #tpu.memory_space<vmem>>, vector<1x16xf32>,
      %parallel_loop3A_301 = vector.shape_cast %parallel_loop3A_300 : vector<1x16xf32> to vector<16xf32>
      %parallel_loop3A_302 = arith.subf %parallel_loop3A_297, %parallel_loop3A_301 : vector<16xf32>
      %parallel_loop3A_303 = arith.mulf %parallel_loop3A_302, %parallel_loop3A_302 : vector<16xf32>
      %parallel_loop3A_304 = arith.addf %parallel_loop3A_226, %parallel_loop3A_303 : vector<16xf32>
      %parallel_loop3A_305 = arith.index_cast %parallel_loop3A_219 : i32 to index
      %parallel_loop3A_306 = arith.constant 112 : index
      %parallel_loop3A_307 = tpu.vector_load %arg9[%parallel_loop3A_305, %parallel_loop3A_306] {strides = array<i32>} : memref<64x128xf32, #tpu.memory_space<vmem>>, vector<1x16xf32>,
      %parallel_loop3A_308 = vector.shape_cast %parallel_loop3A_307 : vector<1x16xf32> to vector<16xf32>
      %parallel_loop3A_309 = arith.index_cast %parallel_loop3A_219 : i32 to index
      %parallel_loop3A_310 = arith.constant 112 : index
      %parallel_loop3A_311 = tpu.vector_load %arg12[%parallel_loop3A_309, %parallel_loop3A_310] {strides = array<i32>} : memref<64x128xf32, #tpu.memory_space<vmem>>, vector<1x16xf32>,
      %parallel_loop3A_312 = vector.shape_cast %parallel_loop3A_311 : vector<1x16xf32> to vector<16xf32>
      %parallel_loop3A_313 = arith.subf %parallel_loop3A_308, %parallel_loop3A_312 : vector<16xf32>
      %parallel_loop3A_314 = arith.mulf %parallel_loop3A_313, %parallel_loop3A_313 : vector<16xf32>
      %parallel_loop3A_315 = arith.addf %parallel_loop3A_227, %parallel_loop3A_314 : vector<16xf32>
      scf.yield %parallel_loop3A_238, %parallel_loop3A_249, %parallel_loop3A_260, %parallel_loop3A_271, %parallel_loop3A_282, %parallel_loop3A_293, %parallel_loop3A_304, %parallel_loop3A_315 : vector<16xf32>, vector<16xf32>, vector<16xf32>, vector<16xf32>, vector<16xf32>, vector<16xf32>, vector<16xf32>, vector<16xf32>
    } {sc.loop_unroll_factor = 8 : i64, sc.parallel_access}
    %dma_wait3A_183 = arith.constant 384 : i32
    %dma_wait3A_184 = tpu.memref_slice %arg6[%dma_wait3A_183] : memref<512xi32, #tpu.memory_space<vmem>> -> memref<64xi32, #tpu.memory_space<vmem>>
    %dma_wait3A_185 = arith.constant 0 : i32
    %dma_wait3A_186 = arith.constant 0 : i32
    %dma_wait3A_187 = tpu.memref_slice %arg4[%dma_wait3A_185, %dma_wait3A_186] : memref<100000x128xf32, #tpu.memory_space<hbm>> -> memref<100000x128xf32, #tpu.memory_space<hbm>>
    tpu.wait_indirect_dma semaphore(%arg14 : memref<!tpu.dma_semaphore, #tpu.memory_space<semaphore_mem>>) src(%dma_wait3A_187 : memref<100000x128xf32, #tpu.memory_space<hbm>>) dst(%arg7 : memref<64x128xf32, #tpu.memory_space<vmem>>)
    %dma_wait3A_188 = arith.constant 0 : i32
    %dma_wait3A_189 = tpu.memref_slice %arg2[%add3A_141, %dma_wait3A_188] : memref<16384x128xf32, #tpu.memory_space<hbm>> -> memref<64x128xf32, #tpu.memory_space<hbm>>
    %dma_wait3A_190 = arith.constant 0 : i32
    %dma_wait3A_191 = tpu.memref_slice %arg2[%add3A_141, %dma_wait3A_190] : memref<16384x128xf32, #tpu.memory_space<hbm>> -> memref<64x128xf32, #tpu.memory_space<hbm>>
    tpu.wait_dma2 semaphore(%arg17 : memref<!tpu.dma_semaphore, #tpu.memory_space<semaphore_mem>>) src(%dma_wait3A_191 : memref<64x128xf32, #tpu.memory_space<hbm>>) dst(%arg10 : memref<64x128xf32, #tpu.memory_space<vmem>>)
    %parallel_loop3A_192 = arith.constant 0 : i32
    %parallel_loop3A_193 = arith.constant 64 : i32
    %parallel_loop3A_194 = arith.constant 1 : i32
    %parallel_loop3A_195:8 = scf.for %parallel_loop3A_219 = %parallel_loop3A_192 to %parallel_loop3A_193 step %parallel_loop3A_194 iter_args(%parallel_loop3A_220 = %parallel_loop3A_182#0, %parallel_loop3A_221 = %parallel_loop3A_182#1, %parallel_loop3A_222 = %parallel_loop3A_182#2, %parallel_loop3A_223 = %parallel_loop3A_182#3, %parallel_loop3A_224 = %parallel_loop3A_182#4, %parallel_loop3A_225 = %parallel_loop3A_182#5, %parallel_loop3A_226 = %parallel_loop3A_182#6, %parallel_loop3A_227 = %parallel_loop3A_182#7) -> (vector<16xf32>, vector<16xf32>, vector<16xf32>, vector<16xf32>, vector<16xf32>, vector<16xf32>, vector<16xf32>, vector<16xf32>)  : i32 {
      %parallel_loop3A_228 = arith.index_cast %parallel_loop3A_219 : i32 to index
      %parallel_loop3A_229 = arith.constant 0 : index
      %parallel_loop3A_230 = tpu.vector_load %arg7[%parallel_loop3A_228, %parallel_loop3A_229] {strides = array<i32>} : memref<64x128xf32, #tpu.memory_space<vmem>>, vector<1x16xf32>,
      %parallel_loop3A_231 = vector.shape_cast %parallel_loop3A_230 : vector<1x16xf32> to vector<16xf32>
      %parallel_loop3A_232 = arith.index_cast %parallel_loop3A_219 : i32 to index
      %parallel_loop3A_233 = arith.constant 0 : index
      %parallel_loop3A_234 = tpu.vector_load %arg10[%parallel_loop3A_232, %parallel_loop3A_233] {strides = array<i32>} : memref<64x128xf32, #tpu.memory_space<vmem>>, vector<1x16xf32>,
      %parallel_loop3A_235 = vector.shape_cast %parallel_loop3A_234 : vector<1x16xf32> to vector<16xf32>
      %parallel_loop3A_236 = arith.subf %parallel_loop3A_231, %parallel_loop3A_235 : vector<16xf32>
      %parallel_loop3A_237 = arith.mulf %parallel_loop3A_236, %parallel_loop3A_236 : vector<16xf32>
      %parallel_loop3A_238 = arith.addf %parallel_loop3A_220, %parallel_loop3A_237 : vector<16xf32>
      %parallel_loop3A_239 = arith.index_cast %parallel_loop3A_219 : i32 to index
      %parallel_loop3A_240 = arith.constant 16 : index
      %parallel_loop3A_241 = tpu.vector_load %arg7[%parallel_loop3A_239, %parallel_loop3A_240] {strides = array<i32>} : memref<64x128xf32, #tpu.memory_space<vmem>>, vector<1x16xf32>,
      %parallel_loop3A_242 = vector.shape_cast %parallel_loop3A_241 : vector<1x16xf32> to vector<16xf32>
      %parallel_loop3A_243 = arith.index_cast %parallel_loop3A_219 : i32 to index
      %parallel_loop3A_244 = arith.constant 16 : index
      %parallel_loop3A_245 = tpu.vector_load %arg10[%parallel_loop3A_243, %parallel_loop3A_244] {strides = array<i32>} : memref<64x128xf32, #tpu.memory_space<vmem>>, vector<1x16xf32>,
      %parallel_loop3A_246 = vector.shape_cast %parallel_loop3A_245 : vector<1x16xf32> to vector<16xf32>
      %parallel_loop3A_247 = arith.subf %parallel_loop3A_242, %parallel_loop3A_246 : vector<16xf32>
      %parallel_loop3A_248 = arith.mulf %parallel_loop3A_247, %parallel_loop3A_247 : vector<16xf32>
      %parallel_loop3A_249 = arith.addf %parallel_loop3A_221, %parallel_loop3A_248 : vector<16xf32>
      %parallel_loop3A_250 = arith.index_cast %parallel_loop3A_219 : i32 to index
      %parallel_loop3A_251 = arith.constant 32 : index
      %parallel_loop3A_252 = tpu.vector_load %arg7[%parallel_loop3A_250, %parallel_loop3A_251] {strides = array<i32>} : memref<64x128xf32, #tpu.memory_space<vmem>>, vector<1x16xf32>,
      %parallel_loop3A_253 = vector.shape_cast %parallel_loop3A_252 : vector<1x16xf32> to vector<16xf32>
      %parallel_loop3A_254 = arith.index_cast %parallel_loop3A_219 : i32 to index
      %parallel_loop3A_255 = arith.constant 32 : index
      %parallel_loop3A_256 = tpu.vector_load %arg10[%parallel_loop3A_254, %parallel_loop3A_255] {strides = array<i32>} : memref<64x128xf32, #tpu.memory_space<vmem>>, vector<1x16xf32>,
      %parallel_loop3A_257 = vector.shape_cast %parallel_loop3A_256 : vector<1x16xf32> to vector<16xf32>
      %parallel_loop3A_258 = arith.subf %parallel_loop3A_253, %parallel_loop3A_257 : vector<16xf32>
      %parallel_loop3A_259 = arith.mulf %parallel_loop3A_258, %parallel_loop3A_258 : vector<16xf32>
      %parallel_loop3A_260 = arith.addf %parallel_loop3A_222, %parallel_loop3A_259 : vector<16xf32>
      %parallel_loop3A_261 = arith.index_cast %parallel_loop3A_219 : i32 to index
      %parallel_loop3A_262 = arith.constant 48 : index
      %parallel_loop3A_263 = tpu.vector_load %arg7[%parallel_loop3A_261, %parallel_loop3A_262] {strides = array<i32>} : memref<64x128xf32, #tpu.memory_space<vmem>>, vector<1x16xf32>,
      %parallel_loop3A_264 = vector.shape_cast %parallel_loop3A_263 : vector<1x16xf32> to vector<16xf32>
      %parallel_loop3A_265 = arith.index_cast %parallel_loop3A_219 : i32 to index
      %parallel_loop3A_266 = arith.constant 48 : index
      %parallel_loop3A_267 = tpu.vector_load %arg10[%parallel_loop3A_265, %parallel_loop3A_266] {strides = array<i32>} : memref<64x128xf32, #tpu.memory_space<vmem>>, vector<1x16xf32>,
      %parallel_loop3A_268 = vector.shape_cast %parallel_loop3A_267 : vector<1x16xf32> to vector<16xf32>
      %parallel_loop3A_269 = arith.subf %parallel_loop3A_264, %parallel_loop3A_268 : vector<16xf32>
      %parallel_loop3A_270 = arith.mulf %parallel_loop3A_269, %parallel_loop3A_269 : vector<16xf32>
      %parallel_loop3A_271 = arith.addf %parallel_loop3A_223, %parallel_loop3A_270 : vector<16xf32>
      %parallel_loop3A_272 = arith.index_cast %parallel_loop3A_219 : i32 to index
      %parallel_loop3A_273 = arith.constant 64 : index
      %parallel_loop3A_274 = tpu.vector_load %arg7[%parallel_loop3A_272, %parallel_loop3A_273] {strides = array<i32>} : memref<64x128xf32, #tpu.memory_space<vmem>>, vector<1x16xf32>,
      %parallel_loop3A_275 = vector.shape_cast %parallel_loop3A_274 : vector<1x16xf32> to vector<16xf32>
      %parallel_loop3A_276 = arith.index_cast %parallel_loop3A_219 : i32 to index
      %parallel_loop3A_277 = arith.constant 64 : index
      %parallel_loop3A_278 = tpu.vector_load %arg10[%parallel_loop3A_276, %parallel_loop3A_277] {strides = array<i32>} : memref<64x128xf32, #tpu.memory_space<vmem>>, vector<1x16xf32>,
      %parallel_loop3A_279 = vector.shape_cast %parallel_loop3A_278 : vector<1x16xf32> to vector<16xf32>
      %parallel_loop3A_280 = arith.subf %parallel_loop3A_275, %parallel_loop3A_279 : vector<16xf32>
      %parallel_loop3A_281 = arith.mulf %parallel_loop3A_280, %parallel_loop3A_280 : vector<16xf32>
      %parallel_loop3A_282 = arith.addf %parallel_loop3A_224, %parallel_loop3A_281 : vector<16xf32>
      %parallel_loop3A_283 = arith.index_cast %parallel_loop3A_219 : i32 to index
      %parallel_loop3A_284 = arith.constant 80 : index
      %parallel_loop3A_285 = tpu.vector_load %arg7[%parallel_loop3A_283, %parallel_loop3A_284] {strides = array<i32>} : memref<64x128xf32, #tpu.memory_space<vmem>>, vector<1x16xf32>,
      %parallel_loop3A_286 = vector.shape_cast %parallel_loop3A_285 : vector<1x16xf32> to vector<16xf32>
      %parallel_loop3A_287 = arith.index_cast %parallel_loop3A_219 : i32 to index
      %parallel_loop3A_288 = arith.constant 80 : index
      %parallel_loop3A_289 = tpu.vector_load %arg10[%parallel_loop3A_287, %parallel_loop3A_288] {strides = array<i32>} : memref<64x128xf32, #tpu.memory_space<vmem>>, vector<1x16xf32>,
      %parallel_loop3A_290 = vector.shape_cast %parallel_loop3A_289 : vector<1x16xf32> to vector<16xf32>
      %parallel_loop3A_291 = arith.subf %parallel_loop3A_286, %parallel_loop3A_290 : vector<16xf32>
      %parallel_loop3A_292 = arith.mulf %parallel_loop3A_291, %parallel_loop3A_291 : vector<16xf32>
      %parallel_loop3A_293 = arith.addf %parallel_loop3A_225, %parallel_loop3A_292 : vector<16xf32>
      %parallel_loop3A_294 = arith.index_cast %parallel_loop3A_219 : i32 to index
      %parallel_loop3A_295 = arith.constant 96 : index
      %parallel_loop3A_296 = tpu.vector_load %arg7[%parallel_loop3A_294, %parallel_loop3A_295] {strides = array<i32>} : memref<64x128xf32, #tpu.memory_space<vmem>>, vector<1x16xf32>,
      %parallel_loop3A_297 = vector.shape_cast %parallel_loop3A_296 : vector<1x16xf32> to vector<16xf32>
      %parallel_loop3A_298 = arith.index_cast %parallel_loop3A_219 : i32 to index
      %parallel_loop3A_299 = arith.constant 96 : index
      %parallel_loop3A_300 = tpu.vector_load %arg10[%parallel_loop3A_298, %parallel_loop3A_299] {strides = array<i32>} : memref<64x128xf32, #tpu.memory_space<vmem>>, vector<1x16xf32>,
      %parallel_loop3A_301 = vector.shape_cast %parallel_loop3A_300 : vector<1x16xf32> to vector<16xf32>
      %parallel_loop3A_302 = arith.subf %parallel_loop3A_297, %parallel_loop3A_301 : vector<16xf32>
      %parallel_loop3A_303 = arith.mulf %parallel_loop3A_302, %parallel_loop3A_302 : vector<16xf32>
      %parallel_loop3A_304 = arith.addf %parallel_loop3A_226, %parallel_loop3A_303 : vector<16xf32>
      %parallel_loop3A_305 = arith.index_cast %parallel_loop3A_219 : i32 to index
      %parallel_loop3A_306 = arith.constant 112 : index
      %parallel_loop3A_307 = tpu.vector_load %arg7[%parallel_loop3A_305, %parallel_loop3A_306] {strides = array<i32>} : memref<64x128xf32, #tpu.memory_space<vmem>>, vector<1x16xf32>,
      %parallel_loop3A_308 = vector.shape_cast %parallel_loop3A_307 : vector<1x16xf32> to vector<16xf32>
      %parallel_loop3A_309 = arith.index_cast %parallel_loop3A_219 : i32 to index
      %parallel_loop3A_310 = arith.constant 112 : index
      %parallel_loop3A_311 = tpu.vector_load %arg10[%parallel_loop3A_309, %parallel_loop3A_310] {strides = array<i32>} : memref<64x128xf32, #tpu.memory_space<vmem>>, vector<1x16xf32>,
      %parallel_loop3A_312 = vector.shape_cast %parallel_loop3A_311 : vector<1x16xf32> to vector<16xf32>
      %parallel_loop3A_313 = arith.subf %parallel_loop3A_308, %parallel_loop3A_312 : vector<16xf32>
      %parallel_loop3A_314 = arith.mulf %parallel_loop3A_313, %parallel_loop3A_313 : vector<16xf32>
      %parallel_loop3A_315 = arith.addf %parallel_loop3A_227, %parallel_loop3A_314 : vector<16xf32>
      scf.yield %parallel_loop3A_238, %parallel_loop3A_249, %parallel_loop3A_260, %parallel_loop3A_271, %parallel_loop3A_282, %parallel_loop3A_293, %parallel_loop3A_304, %parallel_loop3A_315 : vector<16xf32>, vector<16xf32>, vector<16xf32>, vector<16xf32>, vector<16xf32>, vector<16xf32>, vector<16xf32>, vector<16xf32>
    } {sc.loop_unroll_factor = 8 : i64, sc.parallel_access}
    %dma_wait3A_196 = arith.constant 448 : i32
    %dma_wait3A_197 = tpu.memref_slice %arg6[%dma_wait3A_196] : memref<512xi32, #tpu.memory_space<vmem>> -> memref<64xi32, #tpu.memory_space<vmem>>
    %dma_wait3A_198 = arith.constant 0 : i32
    %dma_wait3A_199 = arith.constant 0 : i32
    %dma_wait3A_200 = tpu.memref_slice %arg4[%dma_wait3A_198, %dma_wait3A_199] : memref<100000x128xf32, #tpu.memory_space<hbm>> -> memref<100000x128xf32, #tpu.memory_space<hbm>>
    tpu.wait_indirect_dma semaphore(%arg15 : memref<!tpu.dma_semaphore, #tpu.memory_space<semaphore_mem>>) src(%dma_wait3A_200 : memref<100000x128xf32, #tpu.memory_space<hbm>>) dst(%arg8 : memref<64x128xf32, #tpu.memory_space<vmem>>)
    %dma_wait3A_201 = arith.constant 0 : i32
    %dma_wait3A_202 = tpu.memref_slice %arg2[%add3A_165, %dma_wait3A_201] : memref<16384x128xf32, #tpu.memory_space<hbm>> -> memref<64x128xf32, #tpu.memory_space<hbm>>
    %dma_wait3A_203 = arith.constant 0 : i32
    %dma_wait3A_204 = tpu.memref_slice %arg2[%add3A_165, %dma_wait3A_203] : memref<16384x128xf32, #tpu.memory_space<hbm>> -> memref<64x128xf32, #tpu.memory_space<hbm>>
    tpu.wait_dma2 semaphore(%arg18 : memref<!tpu.dma_semaphore, #tpu.memory_space<semaphore_mem>>) src(%dma_wait3A_204 : memref<64x128xf32, #tpu.memory_space<hbm>>) dst(%arg11 : memref<64x128xf32, #tpu.memory_space<vmem>>)
    %parallel_loop3A_205 = arith.constant 0 : i32
    %parallel_loop3A_206 = arith.constant 64 : i32
    %parallel_loop3A_207 = arith.constant 1 : i32
    %parallel_loop3A_208:8 = scf.for %parallel_loop3A_219 = %parallel_loop3A_205 to %parallel_loop3A_206 step %parallel_loop3A_207 iter_args(%parallel_loop3A_220 = %parallel_loop3A_195#0, %parallel_loop3A_221 = %parallel_loop3A_195#1, %parallel_loop3A_222 = %parallel_loop3A_195#2, %parallel_loop3A_223 = %parallel_loop3A_195#3, %parallel_loop3A_224 = %parallel_loop3A_195#4, %parallel_loop3A_225 = %parallel_loop3A_195#5, %parallel_loop3A_226 = %parallel_loop3A_195#6, %parallel_loop3A_227 = %parallel_loop3A_195#7) -> (vector<16xf32>, vector<16xf32>, vector<16xf32>, vector<16xf32>, vector<16xf32>, vector<16xf32>, vector<16xf32>, vector<16xf32>)  : i32 {
      %parallel_loop3A_228 = arith.index_cast %parallel_loop3A_219 : i32 to index
      %parallel_loop3A_229 = arith.constant 0 : index
      %parallel_loop3A_230 = tpu.vector_load %arg8[%parallel_loop3A_228, %parallel_loop3A_229] {strides = array<i32>} : memref<64x128xf32, #tpu.memory_space<vmem>>, vector<1x16xf32>,
      %parallel_loop3A_231 = vector.shape_cast %parallel_loop3A_230 : vector<1x16xf32> to vector<16xf32>
      %parallel_loop3A_232 = arith.index_cast %parallel_loop3A_219 : i32 to index
      %parallel_loop3A_233 = arith.constant 0 : index
      %parallel_loop3A_234 = tpu.vector_load %arg11[%parallel_loop3A_232, %parallel_loop3A_233] {strides = array<i32>} : memref<64x128xf32, #tpu.memory_space<vmem>>, vector<1x16xf32>,
      %parallel_loop3A_235 = vector.shape_cast %parallel_loop3A_234 : vector<1x16xf32> to vector<16xf32>
      %parallel_loop3A_236 = arith.subf %parallel_loop3A_231, %parallel_loop3A_235 : vector<16xf32>
      %parallel_loop3A_237 = arith.mulf %parallel_loop3A_236, %parallel_loop3A_236 : vector<16xf32>
      %parallel_loop3A_238 = arith.addf %parallel_loop3A_220, %parallel_loop3A_237 : vector<16xf32>
      %parallel_loop3A_239 = arith.index_cast %parallel_loop3A_219 : i32 to index
      %parallel_loop3A_240 = arith.constant 16 : index
      %parallel_loop3A_241 = tpu.vector_load %arg8[%parallel_loop3A_239, %parallel_loop3A_240] {strides = array<i32>} : memref<64x128xf32, #tpu.memory_space<vmem>>, vector<1x16xf32>,
      %parallel_loop3A_242 = vector.shape_cast %parallel_loop3A_241 : vector<1x16xf32> to vector<16xf32>
      %parallel_loop3A_243 = arith.index_cast %parallel_loop3A_219 : i32 to index
      %parallel_loop3A_244 = arith.constant 16 : index
      %parallel_loop3A_245 = tpu.vector_load %arg11[%parallel_loop3A_243, %parallel_loop3A_244] {strides = array<i32>} : memref<64x128xf32, #tpu.memory_space<vmem>>, vector<1x16xf32>,
      %parallel_loop3A_246 = vector.shape_cast %parallel_loop3A_245 : vector<1x16xf32> to vector<16xf32>
      %parallel_loop3A_247 = arith.subf %parallel_loop3A_242, %parallel_loop3A_246 : vector<16xf32>
      %parallel_loop3A_248 = arith.mulf %parallel_loop3A_247, %parallel_loop3A_247 : vector<16xf32>
      %parallel_loop3A_249 = arith.addf %parallel_loop3A_221, %parallel_loop3A_248 : vector<16xf32>
      %parallel_loop3A_250 = arith.index_cast %parallel_loop3A_219 : i32 to index
      %parallel_loop3A_251 = arith.constant 32 : index
      %parallel_loop3A_252 = tpu.vector_load %arg8[%parallel_loop3A_250, %parallel_loop3A_251] {strides = array<i32>} : memref<64x128xf32, #tpu.memory_space<vmem>>, vector<1x16xf32>,
      %parallel_loop3A_253 = vector.shape_cast %parallel_loop3A_252 : vector<1x16xf32> to vector<16xf32>
      %parallel_loop3A_254 = arith.index_cast %parallel_loop3A_219 : i32 to index
      %parallel_loop3A_255 = arith.constant 32 : index
      %parallel_loop3A_256 = tpu.vector_load %arg11[%parallel_loop3A_254, %parallel_loop3A_255] {strides = array<i32>} : memref<64x128xf32, #tpu.memory_space<vmem>>, vector<1x16xf32>,
      %parallel_loop3A_257 = vector.shape_cast %parallel_loop3A_256 : vector<1x16xf32> to vector<16xf32>
      %parallel_loop3A_258 = arith.subf %parallel_loop3A_253, %parallel_loop3A_257 : vector<16xf32>
      %parallel_loop3A_259 = arith.mulf %parallel_loop3A_258, %parallel_loop3A_258 : vector<16xf32>
      %parallel_loop3A_260 = arith.addf %parallel_loop3A_222, %parallel_loop3A_259 : vector<16xf32>
      %parallel_loop3A_261 = arith.index_cast %parallel_loop3A_219 : i32 to index
      %parallel_loop3A_262 = arith.constant 48 : index
      %parallel_loop3A_263 = tpu.vector_load %arg8[%parallel_loop3A_261, %parallel_loop3A_262] {strides = array<i32>} : memref<64x128xf32, #tpu.memory_space<vmem>>, vector<1x16xf32>,
      %parallel_loop3A_264 = vector.shape_cast %parallel_loop3A_263 : vector<1x16xf32> to vector<16xf32>
      %parallel_loop3A_265 = arith.index_cast %parallel_loop3A_219 : i32 to index
      %parallel_loop3A_266 = arith.constant 48 : index
      %parallel_loop3A_267 = tpu.vector_load %arg11[%parallel_loop3A_265, %parallel_loop3A_266] {strides = array<i32>} : memref<64x128xf32, #tpu.memory_space<vmem>>, vector<1x16xf32>,
      %parallel_loop3A_268 = vector.shape_cast %parallel_loop3A_267 : vector<1x16xf32> to vector<16xf32>
      %parallel_loop3A_269 = arith.subf %parallel_loop3A_264, %parallel_loop3A_268 : vector<16xf32>
      %parallel_loop3A_270 = arith.mulf %parallel_loop3A_269, %parallel_loop3A_269 : vector<16xf32>
      %parallel_loop3A_271 = arith.addf %parallel_loop3A_223, %parallel_loop3A_270 : vector<16xf32>
      %parallel_loop3A_272 = arith.index_cast %parallel_loop3A_219 : i32 to index
      %parallel_loop3A_273 = arith.constant 64 : index
      %parallel_loop3A_274 = tpu.vector_load %arg8[%parallel_loop3A_272, %parallel_loop3A_273] {strides = array<i32>} : memref<64x128xf32, #tpu.memory_space<vmem>>, vector<1x16xf32>,
      %parallel_loop3A_275 = vector.shape_cast %parallel_loop3A_274 : vector<1x16xf32> to vector<16xf32>
      %parallel_loop3A_276 = arith.index_cast %parallel_loop3A_219 : i32 to index
      %parallel_loop3A_277 = arith.constant 64 : index
      %parallel_loop3A_278 = tpu.vector_load %arg11[%parallel_loop3A_276, %parallel_loop3A_277] {strides = array<i32>} : memref<64x128xf32, #tpu.memory_space<vmem>>, vector<1x16xf32>,
      %parallel_loop3A_279 = vector.shape_cast %parallel_loop3A_278 : vector<1x16xf32> to vector<16xf32>
      %parallel_loop3A_280 = arith.subf %parallel_loop3A_275, %parallel_loop3A_279 : vector<16xf32>
      %parallel_loop3A_281 = arith.mulf %parallel_loop3A_280, %parallel_loop3A_280 : vector<16xf32>
      %parallel_loop3A_282 = arith.addf %parallel_loop3A_224, %parallel_loop3A_281 : vector<16xf32>
      %parallel_loop3A_283 = arith.index_cast %parallel_loop3A_219 : i32 to index
      %parallel_loop3A_284 = arith.constant 80 : index
      %parallel_loop3A_285 = tpu.vector_load %arg8[%parallel_loop3A_283, %parallel_loop3A_284] {strides = array<i32>} : memref<64x128xf32, #tpu.memory_space<vmem>>, vector<1x16xf32>,
      %parallel_loop3A_286 = vector.shape_cast %parallel_loop3A_285 : vector<1x16xf32> to vector<16xf32>
      %parallel_loop3A_287 = arith.index_cast %parallel_loop3A_219 : i32 to index
      %parallel_loop3A_288 = arith.constant 80 : index
      %parallel_loop3A_289 = tpu.vector_load %arg11[%parallel_loop3A_287, %parallel_loop3A_288] {strides = array<i32>} : memref<64x128xf32, #tpu.memory_space<vmem>>, vector<1x16xf32>,
      %parallel_loop3A_290 = vector.shape_cast %parallel_loop3A_289 : vector<1x16xf32> to vector<16xf32>
      %parallel_loop3A_291 = arith.subf %parallel_loop3A_286, %parallel_loop3A_290 : vector<16xf32>
      %parallel_loop3A_292 = arith.mulf %parallel_loop3A_291, %parallel_loop3A_291 : vector<16xf32>
      %parallel_loop3A_293 = arith.addf %parallel_loop3A_225, %parallel_loop3A_292 : vector<16xf32>
      %parallel_loop3A_294 = arith.index_cast %parallel_loop3A_219 : i32 to index
      %parallel_loop3A_295 = arith.constant 96 : index
      %parallel_loop3A_296 = tpu.vector_load %arg8[%parallel_loop3A_294, %parallel_loop3A_295] {strides = array<i32>} : memref<64x128xf32, #tpu.memory_space<vmem>>, vector<1x16xf32>,
      %parallel_loop3A_297 = vector.shape_cast %parallel_loop3A_296 : vector<1x16xf32> to vector<16xf32>
      %parallel_loop3A_298 = arith.index_cast %parallel_loop3A_219 : i32 to index
      %parallel_loop3A_299 = arith.constant 96 : index
      %parallel_loop3A_300 = tpu.vector_load %arg11[%parallel_loop3A_298, %parallel_loop3A_299] {strides = array<i32>} : memref<64x128xf32, #tpu.memory_space<vmem>>, vector<1x16xf32>,
      %parallel_loop3A_301 = vector.shape_cast %parallel_loop3A_300 : vector<1x16xf32> to vector<16xf32>
      %parallel_loop3A_302 = arith.subf %parallel_loop3A_297, %parallel_loop3A_301 : vector<16xf32>
      %parallel_loop3A_303 = arith.mulf %parallel_loop3A_302, %parallel_loop3A_302 : vector<16xf32>
      %parallel_loop3A_304 = arith.addf %parallel_loop3A_226, %parallel_loop3A_303 : vector<16xf32>
      %parallel_loop3A_305 = arith.index_cast %parallel_loop3A_219 : i32 to index
      %parallel_loop3A_306 = arith.constant 112 : index
      %parallel_loop3A_307 = tpu.vector_load %arg8[%parallel_loop3A_305, %parallel_loop3A_306] {strides = array<i32>} : memref<64x128xf32, #tpu.memory_space<vmem>>, vector<1x16xf32>,
      %parallel_loop3A_308 = vector.shape_cast %parallel_loop3A_307 : vector<1x16xf32> to vector<16xf32>
      %parallel_loop3A_309 = arith.index_cast %parallel_loop3A_219 : i32 to index
      %parallel_loop3A_310 = arith.constant 112 : index
      %parallel_loop3A_311 = tpu.vector_load %arg11[%parallel_loop3A_309, %parallel_loop3A_310] {strides = array<i32>} : memref<64x128xf32, #tpu.memory_space<vmem>>, vector<1x16xf32>,
      %parallel_loop3A_312 = vector.shape_cast %parallel_loop3A_311 : vector<1x16xf32> to vector<16xf32>
      %parallel_loop3A_313 = arith.subf %parallel_loop3A_308, %parallel_loop3A_312 : vector<16xf32>
      %parallel_loop3A_314 = arith.mulf %parallel_loop3A_313, %parallel_loop3A_313 : vector<16xf32>
      %parallel_loop3A_315 = arith.addf %parallel_loop3A_227, %parallel_loop3A_314 : vector<16xf32>
      scf.yield %parallel_loop3A_238, %parallel_loop3A_249, %parallel_loop3A_260, %parallel_loop3A_271, %parallel_loop3A_282, %parallel_loop3A_293, %parallel_loop3A_304, %parallel_loop3A_315 : vector<16xf32>, vector<16xf32>, vector<16xf32>, vector<16xf32>, vector<16xf32>, vector<16xf32>, vector<16xf32>, vector<16xf32>
    } {sc.loop_unroll_factor = 8 : i64, sc.parallel_access}
    %add3A_209 = arith.addf %parallel_loop3A_208#0, %parallel_loop3A_208#1 : vector<16xf32>
    %add3A_210 = arith.addf %add3A_209, %parallel_loop3A_208#2 : vector<16xf32>
    %add3A_211 = arith.addf %add3A_210, %parallel_loop3A_208#3 : vector<16xf32>
    %add3A_212 = arith.addf %add3A_211, %parallel_loop3A_208#4 : vector<16xf32>
    %add3A_213 = arith.addf %add3A_212, %parallel_loop3A_208#5 : vector<16xf32>
    %add3A_214 = arith.addf %add3A_213, %parallel_loop3A_208#6 : vector<16xf32>
    %add3A_215 = arith.addf %add3A_214, %parallel_loop3A_208#7 : vector<16xf32>
    %swap3A = arith.constant 0 : index
    %swap3A_216 = tpu.vector_load %arg13[%swap3A] {strides = array<i32>} : memref<16xf32, #tpu.memory_space<vmem>>, vector<16xf32>,
    %swap3A_217 = vector.shape_cast %swap3A_216 : vector<16xf32> to vector<16xf32>
    %swap3A_218 = vector.shape_cast %add3A_215 : vector<16xf32> to vector<16xf32>
    tpu.vector_store %arg13[%swap3A], %swap3A_218 {strides = array<i32>} : memref<16xf32, #tpu.memory_space<vmem>>, vector<16xf32>,
    "tpu.region"() ({
      %run_scoped3A = tpu.sem_alloc : memref<!tpu.dma_semaphore, #tpu.memory_space<semaphore_mem>>
      %dma_start3A_219 = arith.constant 0 : i32
      %dma_start3A_220 = tpu.memref_slice %arg5[%add3A, %dma_start3A_219] : memref<32x16xf32, #tpu.memory_space<hbm>> -> memref<1x16xf32, #tpu.memory_space<hbm>>
      %dma_start3A_221 = tpu.memref_squeeze %dma_start3A_220 : memref<1x16xf32, #tpu.memory_space<hbm>> -> memref<16xf32, #tpu.memory_space<hbm>>
      %dma_start3A_222 = arith.constant 0 : i32
      %dma_start3A_223 = tpu.memref_slice %arg5[%add3A, %dma_start3A_222] : memref<32x16xf32, #tpu.memory_space<hbm>> -> memref<1x16xf32, #tpu.memory_space<hbm>>
      %dma_start3A_224 = tpu.memref_squeeze %dma_start3A_223 : memref<1x16xf32, #tpu.memory_space<hbm>> -> memref<16xf32, #tpu.memory_space<hbm>>
      tpu.enqueue_dma source(%arg13 : memref<16xf32, #tpu.memory_space<vmem>>) target(%dma_start3A_224 : memref<16xf32, #tpu.memory_space<hbm>>) target_semaphore(%run_scoped3A : memref<!tpu.dma_semaphore, #tpu.memory_space<semaphore_mem>>)
      %dma_wait3A_225 = arith.constant 0 : i32
      %dma_wait3A_226 = tpu.memref_slice %arg5[%add3A, %dma_wait3A_225] : memref<32x16xf32, #tpu.memory_space<hbm>> -> memref<1x16xf32, #tpu.memory_space<hbm>>
      %dma_wait3A_227 = tpu.memref_squeeze %dma_wait3A_226 : memref<1x16xf32, #tpu.memory_space<hbm>> -> memref<16xf32, #tpu.memory_space<hbm>>
      %dma_wait3A_228 = arith.constant 0 : i32
      %dma_wait3A_229 = tpu.memref_slice %arg5[%add3A, %dma_wait3A_228] : memref<32x16xf32, #tpu.memory_space<hbm>> -> memref<1x16xf32, #tpu.memory_space<hbm>>
      %dma_wait3A_230 = tpu.memref_squeeze %dma_wait3A_229 : memref<1x16xf32, #tpu.memory_space<hbm>> -> memref<16xf32, #tpu.memory_space<hbm>>
      tpu.wait_dma2 semaphore(%run_scoped3A : memref<!tpu.dma_semaphore, #tpu.memory_space<semaphore_mem>>) src(%arg13 : memref<16xf32, #tpu.memory_space<vmem>>) dst(%dma_wait3A_230 : memref<16xf32, #tpu.memory_space<hbm>>)
      tpu.yield
    }) : () -> ()
    return
  }
}

</mosaic_0001>

<sc_bundles>
// kernel: kernel.3.cloned.1.call-start
scs
__scs_entry_jumppad:
0x0: {  	(pc) =	sbr.rel $0x88, $3  }
0x1: {  	(tag) =	ssettag $0x0;
	lr =	simm.s32 $0x1  }
0x2: {  	[smem:$0x3F9E] =	sst lr;
	_ =	strace $0xD0000000  }
0x3: {  	_ = 	snop  }
0x4: {  	_ = 	snop  }
0x5: {  	_ = 	snop  }
0x6: {  	_ = 	snop  }
0x7: {  	_ = 	snop  }
__scs_overlays_trampoline_lowered:
0x8: {  	[smem:$0x3FAD] =	sst s0  }
0x9: {  	[smem:$0x3FAE] =	sst s1  }
0xa: {  	[smem:$0x3FAF] =	sst s2  }
0xb: {  	[smem:$0x3FB0] =	sst s3  }
0xc: {  	[smem:$0x3FB1] =	sst s4  }
0xd: {  	[smem:$0x3FB2] =	sst s5  }
0xe: {  	[smem:$0x3FB3] =	sst s6  }
0xf: {  	[smem:$0x3FB4] =	sst s7  }
0x10: {  	[smem:$0x3FB5] =	sst s8  }
0x11: {  	[smem:$0x3FB6] =	sst s9;
	s0 =	simm.s32 @!p0 $0x0  }
0x12: {  	s1 =	sld [smem:$0x3F9C];
	s0 =	simm.s32 @p0 $0x1  }
0x13: {  	[smem:$0x3FB7] =	sst s0;
	s0 =	simm.s32 @!p1 $0x0  }
0x14: {  	s2 =	sld [smem:$0x3F9B];
	s0 =	simm.s32 @p1 $0x1  }
0x15: {  	[smem:$0x3FB8] =	sst s0;
	s0 =	simm.s32 @!p2 $0x0  }
0x16: {  	s3 =	sld [smem:$0x3FDB];
	s0 =	simm.s32 @p2 $0x1  }
0x17: {  	s4 =	simm.s32 $0x1BF5;
	[smem:$0x3FBA] =	sst s0  }
0x18: {  	s0 =	sld [smem:$0x3F9D];
	_ =	swait.ge [sflag:s4], $0x0  }
0x19: {  	s7 =	sld [smem:$0x3F9E]  }
0x1a: {  	s8 =	sadd.s32 $0xFFFFE003, lr  }
0x1b: {  	s9 =	sadd.s32 $0xFFFFFEF7, lr;
	s5 =	simm.s32 $0xFFFFFFFF;
	p2 =	slt.u32 s8, $0xFFFFF086  }
0x1c: {  	p1 =	slt.u32 s9, $0xF7A;
	s5 =	simm.s32 @!p2 $0x0  }
0x1d: {  	s5 =	simm.s32 @p1 $0x1;
	p0 =	seq.s32 s7, s2  }
0x1e: {  	s7 =	smul.u32 @!p0 $0xF7A, s2;
	p2 =	seq.s32 @!p0 s5, $0x0  }
0x1f: {  	s9 =	smul.u32 $0xF7A, s1;
	s8 =	simm.s32 @!p0 $0x1BF5;
	p2 =	por !p2, p0  }
0x20: {  	[sflag:s8] =	ssyncset.s32 @!p0 $0xFFFFF086;
	s6 =	sadd.s32 @!p0 s3, s7;
	s7 =	simm.s32 @!p0 $0x108  }
0x21: {  	s3 =	sadd.s32 s3, s9;
	s6 =	sadd.s32 @!p0 $0x88, s6;
	s7 =	simm.s32 @p2 $0x1082  }
0x22: {  	[simem:s7], [sflag:s8] =	dma.local @!p0 [hbm:s6], $0xF7A  }
0x23: {  	s9 =	sor.u32 $0xD0000000, s2;
	s6 =	simm.s32 $0x108;
	_ =	swait.ge @!p0 [sflag:s8], $0x0  }
0x24: {  	s3 =	sadd.s32 $0x88, s3;
	s6 =	simm.s32 @!p1 $0x1082;
	[sflag:s4] =	ssyncset.s32 $0xFFFFF086  }
0x25: {  	[simem:s6], [sflag:s4] =	dma.local [hbm:s3], $0xF7A  }
0x26: {  	[smem:$0x3F9E] =	sst s1;
	(tag) =	ssettag s2;
	_ =	strace s9  }
0x27: {  	s1 =	sld [smem:$0x3FAE]  }
0x28: {  	s2 =	sld [smem:$0x3FAF]  }
0x29: {  	s4 =	sld [smem:$0x3FB1]  }
0x2a: {  	p0 =	seq.s32 s5, $0x0;
	s5 =	sld [smem:$0x3FB2]  }
0x2b: {  	s6 =	sld [smem:$0x3FB3]  }
0x2c: {  	s7 =	sld [smem:$0x3FB4]  }
0x2d: {  	s3 =	simm.s32 $0x108;
	s8 =	sld [smem:$0x3FB5]  }
0x2e: {  	s3 =	simm.s32 @!p0 $0x1082;
	s9 =	sld [smem:$0x3FB6]  }
0x2f: {  	lr =	sadd.s32 s0, s3;
	s0 =	sld [smem:$0x3FAD]  }
0x30: {  	s3 =	sld [smem:$0x3FB0]  }
0x31: {  	[smem:$0x3FB9] =	sst s10  }
0x32: {  	s10 =	sld [smem:$0x3FB7];
	_ =	sdelay $0x3  }
0x33: {  	p0 =	seq.s32 s10, $0x1;
	s10 =	sld [smem:$0x3FB9];
	_ =	sdelay $0x3  }
0x34: {  	[smem:$0x3FB9] =	sst s10  }
0x35: {  	s10 =	sld [smem:$0x3FB8];
	_ =	sdelay $0x3  }
0x36: {  	p1 =	seq.s32 s10, $0x1;
	s10 =	sld [smem:$0x3FB9];
	_ =	sdelay $0x3  }
0x37: {  	[smem:$0x3FB9] =	sst s10  }
0x38: {  	s10 =	sld [smem:$0x3FBA]  }
0x39: {  	_ = 	snop;
	(pc) =	sbr.ind lr, $3  }
0x3a: {  	_ = 	snop  }
0x3b: {  	_ = 	snop  }
0x3c: {  	p2 =	seq.s32 s10, $0x1;
	s10 =	sld [smem:$0x3FB9]  }
0x3d: {  	_ =	shalt  }
0x3e: {  	_ =	shalt  }
0x3f: {  	_ =	shalt  }
0x40: {  	_ =	shalt  }
0x41: {  	_ =	shalt  }
0x42: {  	_ =	shalt  }
0x43: {  	_ =	shalt  }
0x44: {  	_ =	shalt  }
0x45: {  	_ =	shalt  }
0x46: {  	_ =	shalt  }
0x47: {  	_ =	shalt  }
0x48: {  	_ =	shalt  }
0x49: {  	_ =	shalt  }
0x4a: {  	_ =	shalt  }
0x4b: {  	_ =	shalt  }
0x4c: {  	_ =	shalt  }
0x4d: {  	_ =	shalt  }
0x4e: {  	_ =	shalt  }
0x4f: {  	_ =	shalt  }
0x50: {  	_ =	shalt  }
0x51: {  	_ =	shalt  }
0x52: {  	_ =	shalt  }
0x53: {  	_ =	shalt  }
0x54: {  	_ =	shalt  }
0x55: {  	_ =	shalt  }
0x56: {  	_ =	shalt  }
0x57: {  	_ =	shalt  }
0x58: {  	_ =	shalt  }
0x59: {  	_ =	shalt  }
0x5a: {  	_ =	shalt  }
0x5b: {  	_ =	shalt  }
0x5c: {  	_ =	shalt  }
0x5d: {  	_ =	shalt  }
0x5e: {  	_ =	shalt  }
0x5f: {  	_ =	shalt  }
0x60: {  	_ =	shalt  }
0x61: {  	_ =	shalt  }
0x62: {  	_ =	shalt  }
0x63: {  	_ =	shalt  }
0x64: {  	_ =	shalt  }
0x65: {  	_ =	shalt  }
0x66: {  	_ =	shalt  }
0x67: {  	_ =	shalt  }
0x68: {  	_ =	shalt  }
0x69: {  	_ =	shalt  }
0x6a: {  	_ =	shalt  }
0x6b: {  	_ =	shalt  }
0x6c: {  	_ =	shalt  }
0x6d: {  	_ =	shalt  }
0x6e: {  	_ =	shalt  }
0x6f: {  	_ =	shalt  }
0x70: {  	_ =	shalt  }
0x71: {  	_ =	shalt  }
0x72: {  	_ =	shalt  }
0x73: {  	_ =	shalt  }
0x74: {  	_ =	shalt  }
0x75: {  	_ =	shalt  }
0x76: {  	_ =	shalt  }
0x77: {  	_ =	shalt  }
0x78: {  	_ =	shalt  }
0x79: {  	_ =	shalt  }
0x7a: {  	_ =	shalt  }
0x7b: {  	_ =	shalt  }
0x7c: {  	_ =	shalt  }
0x7d: {  	_ =	shalt  }
0x7e: {  	_ =	shalt  }
0x7f: {  	_ =	shalt  }
0x80: {  	_ =	shalt  }
0x81: {  	_ =	shalt  }
0x82: {  	_ =	shalt  }
0x83: {  	_ =	shalt  }
0x84: {  	_ =	shalt  }
0x85: {  	_ =	shalt  }
0x86: {  	_ =	shalt  }
0x87: {  	_ =	shalt  }
.Lfunc_end0:
.L_simem_size_0:
called_computation_lowered:
.L_overlay_start_0:
0x88: {  	s2 =	sld [smem:$0x3FD9]  }
0x89: {  	s3 =	sld [smem:$0x3FFE];
	_ =	sdelay $0x1  }
0x8a: {  	s1 =	srdreg.scid  }
0x8b: {  	s0 =	sand.u32 $0x1, s1  }
0x8c: {  	s17 =	sshll.u32 s0, $0xA;
	s2 =	sadd.s32 s3, s2  }
0x8d: {  	s2 =	sadd.s32 s2, s17  }
0x8e: {  	[smem:$0x3FC5] =	sst s2  }
0x8f: {  	_ = 	snop  }
0x90: {  	s2 =	sld [smem:$0x3FC9]  }
0x91: {  	s18 =	sld [smem:$0x3FC8]  }
0x92: {  	s4 =	sld [smem:$0x3FC7];
	(tm) =	ssettm $0x1  }
0x93: {  	s5 =	sld [smem:$0x3FFB];
	_ =	sdelay $0x3  }
0x94: {  	_ =	strace s5  }
0x95: {  	s5 =	sld [smem:$0x3FFC];
	_ =	sdelay $0x3  }
0x96: {  	_ =	strace s5  }
0x97: {  	s5 =	sld [smem:$0x3FFD];
	_ =	sdelay $0x3  }
0x98: {  	_ =	strace s5  }
0x99: {  	_ =	strace $0x8FFFFFFF  }
0x9a: {  	s19 =	sld [smem:$0x3FDB];
	_ =	sdelay $0x1  }
0x9b: {  	s6 =	simm.s32 $_scs_section_size  }
0x9c: {  	s7 =	simm.s32 $_size__tile_overlayer_lowered;
	s8 =	simm.s32 $_tile_overlayer_lowered  }
0x9d: {  	s22 =	simm.s32 $0x1BFF;
	s21 =	sshll.u32 s8, $0x1;
	s5 =	sadd.s32 s6, s19  }
0x9e: {  	s9 =	simm.s32 $0x0;
	s20 =	sshll.u32 s7, $0x1;
	s7 =	sadd.s32 s21, s5  }
0x9f: {  	[timem:s9], [sflag:s22] =	dma.local [hbm:s7], s20  }
0xa0: {  	_ =	swait.ge [sflag:s22], s20  }
0xa1: {  	s6 =	ssub.s32 $0x0, s20;
	[sflag:s22] =	ssyncset.done $0x0  }
0xa2: {  	[sflag:s22] =	ssyncadd.s32 s6;
	_ =	sdelay $0x1  }
0xa3: {  	s23 =	simm.s32 $0x1B8B  }
0xa4: {  	_ =	swait.ge [sflag:s23], $0x1  }
0xa5: {  	[sflag:s23] =	ssyncset.done $0x0  }
0xa6: {  	s25 =	simm.s32 $0x1B8E;
	s24 =	sld [smem:$0x3FFE];
	[sflag:s23] =	ssyncadd.s32 $0xFFFFFFFF  }
0xa7: {  	s26 =	simm.s32 $execute0_lowered;
	[smem:$0x3FD2] =	sst s25  }
0xa8: {  	s7 =	sshll.u32 s26, $0x1;
	_ =	strace $0x80000046;
	[dreg:$0x1] =	wrdreg $0xFFFFFFFF  }
0xa9: {  	s28 =	simm.s32 $_size_execute0_lowered;
	s5 =	sadd.s32 s5, s7;
	[dreg:$0x0] =	wrdreg $0x0  }
0xaa: {  	s7 =	sshll.u32 s28, $0x1;
	[dreg:$0x2] =	wrdreg s5  }
0xab: {  	[dreg:$0x3] =	wrdreg s7  }
0xac: {  	[dreg:$0x4] =	wrdreg $0xC0  }
0xad: {  	_ =	task [dreg:s9], $0x5FFFF  }
0xae: {  	[dreg:$0x1] =	wrdreg $0xFFFFFFFF  }
0xaf: {  	[dreg:$0x0] =	wrdreg $0x60  }
0xb0: {  	[dreg:$0x2] =	wrdreg s2  }
0xb1: {  	[dreg:$0x3] =	wrdreg s18  }
0xb2: {  	[dreg:$0x4] =	wrdreg s4  }
0xb3: {  	[dreg:$0x5] =	wrdreg s24  }
0xb4: {  	[dreg:$0x6] =	wrdreg $0x9  }
0xb5: {  	_ =	task.clear_ibuf [dreg:s9], $0x7FFFF;
	_ =	strace $0x90000046  }
0xb6: {  	s29 =	simm.s32 $0x9;
	_ =	strace $0x80000048  }
0xb7: {  	_ =	swait.ge [sflag:s29], $0x1  }
0xb8: {  	[sflag:s29] =	ssyncadd.s32 $0xFFFFFFFF  }
0xb9: {  	_ =	strace $0x90000048  }
0xba: {  	_ =	sfence  }
0xbb: {  	s30 =	sld [smem:$0x0];
	_ =	sdelay $0x2  }
0xbc: {  	s31 =	sshll.u32 s1, $0xD;
	s1 =	sshrl.u32 s1, $0x2  }
0xbd: {  	s3 =	sand.u32 $0x4000, s31;
	s1 =	sadd.s32 s1, s30  }
0xbe: {  	s0 =	sor.u32 s3, s0;
	s1 =	sshll.u32 s1, $0x11  }
0xbf: {  	s0 =	sor.u32 s1, s0  }
0xc0: {  	s0 =	sadd.s32 $0x8F2B, s0  }
0xc1: {  	[sflag:s0] =	ssyncadd.remote.s32 $0x1  }
0xc2: {  	_ =	sfence.sel $0xFFFF  }
0xc3: {  	[dreg:$0x0] =	wrdreg $0xFFFFFFFF;
	(pc) =	sbr.abs _section_cstart, $3  }
0xc4: {  	[dreg:$0x1] =	wrdreg $0xFFFFFFFF  }
0xc5: {  	_ =	task.clear_ibuf [dreg:s9], $0x2FFFF;
	_ =	strace $0x9FFFFFFF  }
0xc6: {  	(tm) =	ssettm $0x7FFFFFFF  }
0xc7: {  	_ =	shalt  }
tec
execute0_lowered:
.L_overlay_start_1:
0x0: {  	(tag) =	ssettag $0x1  }
0x1: {  	s0 =	rddreg [dreg:$0x0]  }
0x2: {  	s2 =	rddreg [dreg:$0x1]  }
0x3: {  	s1 =	rddreg [dreg:$0x2]  }
0x4: {  	s14 =	rddreg [dreg:$0x3]  }
0x5: {  	s4 =	srdreg.scid;
	s3 =	simm.s32 $0x0;
	s6 =	stileid.u32  }
0x6: {  	s17 =	simm.s32 $0x40;
	s18 =	simm.s32 $0x200;
	s19 =	simm.s32 $0x6200  }
0x7: {  	s20 =	simm.s32 $0x2200;
	s21 =	simm.s32 $0x8200;
	s23 =	simm.s32 $0x4200  }
0x8: {  	s29 =	simm.s32 $0x2;
	s30 =	simm.s32 $0x5;
	s28 =	simm.s32 $0x0  }
0x9: {  	s4 =	sand.u32 $0x1, s4;
	[smem:$0x7FF] =	sst s3;
	s6 =	sshll.u32 s6, $0x1  }
0xa: {  	s5 =	ssub.s32 $0x2, s4;
	_ =	strace $0x80000047;
	s15 =	sor.u32 s4, s6  }
0xb: {  	s7 =	sshrl.u32 s5, $0x1;
	s24 =	sshll.u32 s15, $0x9;
	s4 =	sshll.u32 s15, $0x6  }
0xc: {  	s6 =	sshll.u32 s15, $0xD;
	s31 =	sshll.u32 s15, $0x4;
	s16 =	ssub.s32 s5, s7  }
0xd: {  	s4 =	sadd.s32 s2, s4;
	s25 =	sor.u32 $0x40, s24;
	s5 =	sadd.s32 s0, s6  }
0xe: {  	s14 =	sadd.s32 s14, s31;
	s24 =	simm.s32 $0xA200;
	s26 =	sshrl.u32 s25, $0x3  }
0xf: {  	s7 =	sshll.u32 s25, $0x4;
	s8 =	sadd.s32 $0x800, s5;
	s9 =	sadd.s32 $0xC00, s5  }
0x10: {  	s10 =	sadd.s32 $0x1000, s5;
	s11 =	sadd.s32 $0x1400, s5;
	s12 =	sadd.s32 $0x1800, s5  }
0x11: {  	s13 =	sadd.s32 $0x1C00, s5;
	s15 =	smax.u32 s16, $0x1;
	s16 =	simm.s32 $0x7  }
0x12: {  	s25 =	simm.s32 $0x1;
	s6 =	sadd.s32 s2, s26;
	s7 =	sadd.s32 s0, s7  }
0x13: {  	s26 =	simm.s32 $0x4;
	s0 =	simm.s32 $0x3;
	s2 =	simm.s32 $0x6  }
.LBB2_1:
0x14: {  	[tilespmem:s3], [sflag:$0x7] =	stream.linear.gather [hbm4b:s4+s3], $0x40, $0x38;
	[tilespmem:$0xC280] =	vst v63  }
0x15: {  	_ =	swait.ge [sflag:s16], $0x40  }
0x16: {  	[sflag:s16] =	ssyncset.done $0x0  }
0x17: {  	[sflag:s16] =	ssyncadd.s32 $0xFFFFFFC0  }
0x18: {  	[tilespmem:s18], [sflag:$0x1] =	stream.indirect.gather [hbm4b:s1+s17], $0x80, s3, s17, $0xb8;
	[tilespmem:$0xC280] =	vst v63  }
0x19: {  	_ = 	snop  }
0x1a: {  	[tilespmem:s19], [sflag:$0x4] =	stream.linear.gather [hbm4b:s5+s3], $0x2000, $0x38;
	[tilespmem:$0xC280] =	vst v63  }
0x1b: {  	_ = 	snop  }
0x1c: {  	[tilespmem:s17], [sflag:$0x7] =	stream.linear.gather [hbm4b:s6+s3], $0x1C0, $0x38;
	[tilespmem:$0xC280] =	vst v63  }
0x1d: {  	_ =	swait.ge [sflag:s16], $0x1C0  }
0x1e: {  	[sflag:s16] =	ssyncset.done $0x0  }
0x1f: {  	[sflag:s16] =	ssyncadd.s32 $0xFFFFFE40  }
0x20: {  	[tilespmem:s20], [sflag:$0x2] =	stream.indirect.gather [hbm4b:s1+s17], $0x80, s17, s17, $0xb8;
	[tilespmem:$0xC280] =	vst v63  }
0x21: {  	_ = 	snop  }
0x22: {  	[tilespmem:s21], [sflag:$0x5] =	stream.linear.gather [hbm4b:s7+s3], $0x2000, $0x38;
	[tilespmem:$0xC280] =	vst v63  }
0x23: {  	s22 =	simm.s32 $0x80  }
0x24: {  	[tilespmem:s23], [sflag:$0x3] =	stream.indirect.gather [hbm4b:s1+s17], $0x80, s22, s17, $0xb8;
	[tilespmem:$0xC280] =	vst v63  }
0x25: {  	_ = 	snop  }
0x26: {  	[tilespmem:s24], [sflag:$0x6] =	stream.linear.gather [hbm4b:s8+s3], $0x2000, $0x38;
	[tilespmem:$0xC280] =	vst v63  }
0x27: {  	_ =	swait.ge [sflag:s25], $0x2000  }
0x28: {  	[sflag:s25] =	ssyncset.done $0x0  }
0x29: {  	[sflag:s25] =	ssyncadd.s32 $0xFFFFE000  }
0x2a: {  	_ =	swait.ge [sflag:s26], $0x2000  }
0x2b: {  	[sflag:s26] =	ssyncset.done $0x0  }
0x2c: {  	s22 =	simm.s32 $0x0;
	[sflag:s26] =	ssyncadd.s32 $0xFFFFE000  }
0x2d: {  	v0 =	vld [tilespmem:s22+$0x270]  }
0x2e: {  	v1 =	vld [tilespmem:s22+$0x6270]  }
0x2f: {  	v2 =	vld [tilespmem:s22+$0x200]  }
0x30: {  	v3 =	vld [tilespmem:s22+$0x6200]  }
0x31: {  	v4 =	vld [tilespmem:s22+$0x210]  }
0x32: {  	v5 =	vld [tilespmem:s22+$0x6210]  }
0x33: {  	v6 =	vld [tilespmem:s22+$0x220]  }
0x34: {  	v7 =	vld [tilespmem:s22+$0x6220]  }
0x35: {  	v9 =	vld [tilespmem:s22+$0x230]  }
0x36: {  	v10 =	vld [tilespmem:s22+$0x6230];
	_ =	sdelay $0x2  }
0x37: {  	v14 =	vld [tilespmem:s22+$0x240];
	v0 =	vsub.f32 v0, v1;
	v1 =	vsub.f32 v2, v3  }
0x38: {  	v2 =	vsub.f32 v4, v5;
	v5 =	vld [tilespmem:s22+$0x6240];
	v3 =	vsub.f32 v6, v7  }
0x39: {  	v8 =	vld [tilespmem:s22+$0x250];
	v4 =	vimm.f32 $0.0e+00;
	v6 =	vsub.f32 v9, v10;
	v0 =	vmul.f32 v0, v0  }
0x3a: {  	v11 =	vld [tilespmem:s22+$0x6250];
	v7 =	vimm.f32 $0.0e+00;
	v1 =	vmul.f32 v1, v1;
	v2 =	vmul.f32 v2, v2  }
0x3b: {  	v12 =	vld [tilespmem:s22+$0x6260];
	v3 =	vmul.f32 v3, v3;
	v13 =	vmul.f32 v6, v6;
	v0 =	vadd.f32 v0, v4  }
0x3c: {  	s31 =	simm.s32 $0x80;
	v9 =	vld [tilespmem:s22+$0x260];
	v6 =	vimm.f32 $0.0e+00;
	v1 =	vadd.f32 v1, v4;
	v2 =	vadd.f32 v2, v4  }
0x3d: {  	v10 =	vld [tilespmem:s31+$0x270];
	s22 =	simm.s32 $0x400;
	v3 =	vadd.f32 v3, v4;
	v14 =	vsub.f32 v14, v5;
	v5 =	vimm.f32 $0.0e+00  }
.LBB2_2:
0x3e: {  	p0 =	sne.s32 s22, $0x7E00;
	v15 =	vld [tilespmem:s31+$0x6270]  }
0x3f: {  	v16 =	vld [tilespmem:s31+$0x200];
	v4 =	vadd.f32 v13, v4;
	v13 =	vmul.f32 v14, v14;
	v8 =	vsub.f32 v8, v11  }
0x40: {  	v11 =	vld [tilespmem:s31+$0x6200]  }
0x41: {  	v14 =	vld [tilespmem:s31+$0x210];
	v7 =	vadd.f32 v13, v7;
	v8 =	vmul.f32 v8, v8;
	v9 =	vsub.f32 v9, v12  }
0x42: {  	v12 =	vld [tilespmem:s31+$0x6210]  }
0x43: {  	v13 =	vld [tilespmem:s31+$0x220];
	v10 =	vsub.f32 v10, v15;
	v6 =	vadd.f32 v8, v6;
	v8 =	vmul.f32 v9, v9  }
0x44: {  	v9 =	vld [tilespmem:s31+$0x6220]  }
0x45: {  	v11 =	vsub.f32 v16, v11;
	v15 =	vld [tilespmem:s31+$0x230];
	v10 =	vmul.f32 v10, v10;
	v5 =	vadd.f32 v8, v5  }
0x46: {  	v16 =	vld [tilespmem:s31+$0x6230]  }
0x47: {  	v8 =	vmul.f32 v11, v11;
	v11 =	vsub.f32 v14, v12;
	v14 =	vld [tilespmem:s31+$0x240];
	v0 =	vadd.f32 v10, v0  }
0x48: {  	v17 =	vld [tilespmem:s31+$0x6240]  }
.Ltmp0:
0x49: {  	v1 =	vadd.f32 v8, v1;
	v10 =	vmul.f32 v11, v11;
	v9 =	vsub.f32 v13, v9;
	v8 =	vld [tilespmem:s31+$0x250];
	(pc) =	sbr.rel @p0 .LBB2_2-.Ltmp0, $4  }
0x4a: {  	v11 =	vld [tilespmem:s31+$0x6250]  }
0x4b: {  	v2 =	vadd.f32 v10, v2;
	v13 =	vmul.f32 v9, v9;
	v15 =	vsub.f32 v15, v16;
	v9 =	vld [tilespmem:s31+$0x260]  }
0x4c: {  	v12 =	vld [tilespmem:s31+$0x6260];
	s31 =	sshra.s32 s22, $0x2  }
0x4d: {  	s22 =	sadd.s32 $0x200, s22;
	v10 =	vld [tilespmem:s31+$0x270];
	v3 =	vadd.f32 v13, v3;
	v13 =	vmul.f32 v15, v15;
	v14 =	vsub.f32 v14, v17  }
0x4e: {  	v15 =	vld [tilespmem:s31+$0x6270]  }
0x4f: {  	v16 =	vld [tilespmem:s31+$0x200]  }
0x50: {  	v17 =	vld [tilespmem:s31+$0x6200]  }
0x51: {  	v18 =	vld [tilespmem:s31+$0x210]  }
0x52: {  	v19 =	vld [tilespmem:s31+$0x6210]  }
0x53: {  	v20 =	vld [tilespmem:s31+$0x220]  }
0x54: {  	v21 =	vld [tilespmem:s31+$0x6220]  }
0x55: {  	v22 =	vld [tilespmem:s31+$0x230]  }
0x56: {  	v23 =	vld [tilespmem:s31+$0x6230]  }
0x57: {  	v24 =	vld [tilespmem:s31+$0x240]  }
0x58: {  	v25 =	vld [tilespmem:s31+$0x6240]  }
0x59: {  	v26 =	vld [tilespmem:s31+$0x250]  }
0x5a: {  	v27 =	vld [tilespmem:s31+$0x6250]  }
0x5b: {  	v28 =	vld [tilespmem:s31+$0x260];
	s22 =	simm.s32 $0xC0  }
0x5c: {  	v29 =	vld [tilespmem:s31+$0x6260];
	[tilespmem:s18], [sflag:$0x1] =	stream.indirect.gather [hbm4b:s1+s17], $0x80, s22, s17, $0xb8  }
0x5d: {  	s22 =	simm.s32 $0x0  }
0x5e: {  	[tilespmem:s19], [sflag:$0x4] =	stream.linear.gather [hbm4b:s9+s22], $0x2000, $0x38;
	[tilespmem:$0xC280] =	vst v63  }
0x5f: {  	_ =	swait.ge [sflag:s29], $0x2000  }
0x60: {  	[sflag:s29] =	ssyncset.done $0x0  }
0x61: {  	[sflag:s29] =	ssyncadd.s32 $0xFFFFE000  }
0x62: {  	_ =	swait.ge [sflag:s30], $0x2000  }
0x63: {  	v8 =	vsub.f32 v8, v11;
	[sflag:s30] =	ssyncset.done $0x0  }
0x64: {  	v11 =	vmul.f32 v14, v14;
	s22 =	simm.s32 $0x0;
	[sflag:s30] =	ssyncadd.s32 $0xFFFFE000  }
0x65: {  	v8 =	vmul.f32 v8, v8;
	v9 =	vsub.f32 v9, v12;
	v12 =	vld [tilespmem:s22+$0x2270]  }
0x66: {  	v4 =	vadd.f32 v13, v4;
	v7 =	vadd.f32 v11, v7;
	v11 =	vld [tilespmem:s22+$0x8270]  }
0x67: {  	v10 =	vsub.f32 v10, v15;
	v6 =	vadd.f32 v8, v6;
	v8 =	vmul.f32 v9, v9;
	v9 =	vld [tilespmem:s22+$0x2200]  }
0x68: {  	v13 =	vsub.f32 v16, v17;
	v14 =	vsub.f32 v18, v19;
	v15 =	vld [tilespmem:s22+$0x8200]  }
0x69: {  	v5 =	vadd.f32 v8, v5;
	v8 =	vmul.f32 v10, v10;
	v10 =	vsub.f32 v20, v21;
	v54 =	vld [tilespmem:s22+$0x2210]  }
0x6a: {  	v55 =	vsub.f32 v22, v23;
	v13 =	vmul.f32 v13, v13;
	v14 =	vmul.f32 v14, v14;
	v56 =	vld [tilespmem:s22+$0x8210]  }
0x6b: {  	v57 =	vadd.f32 v8, v0;
	v0 =	vmul.f32 v10, v10;
	v8 =	vsub.f32 v24, v25;
	v10 =	vld [tilespmem:s22+$0x2220]  }
0x6c: {  	v13 =	vadd.f32 v13, v1;
	v14 =	vadd.f32 v14, v2;
	v1 =	vmul.f32 v55, v55;
	v2 =	vld [tilespmem:s22+$0x8220]  }
0x6d: {  	v59 =	vld [tilespmem:s22+$0x2230];
	v58 =	vadd.f32 v0, v3;
	v3 =	vmul.f32 v8, v8;
	v8 =	vsub.f32 v26, v27  }
0x6e: {  	v60 =	vld [tilespmem:s22+$0x8230];
	v0 =	vadd.f32 v1, v4;
	v1 =	vsub.f32 v28, v29  }
0x6f: {  	v61 =	vld [tilespmem:s22+$0x2240];
	v4 =	vadd.f32 v3, v7;
	v3 =	vmul.f32 v8, v8;
	v8 =	vsub.f32 v12, v11  }
0x70: {  	v1 =	vmul.f32 v1, v1;
	v9 =	vsub.f32 v9, v15;
	v11 =	vsub.f32 v54, v56;
	v15 =	vld [tilespmem:s22+$0x8240]  }
0x71: {  	v7 =	vadd.f32 v3, v6;
	v2 =	vsub.f32 v10, v2;
	v3 =	vmul.f32 v8, v8;
	v8 =	vld [tilespmem:s22+$0x2250]  }
0x72: {  	v6 =	vadd.f32 v1, v5;
	v5 =	vmul.f32 v9, v9;
	v10 =	vmul.f32 v11, v11;
	v11 =	vld [tilespmem:s22+$0x8250]  }
0x73: {  	v63 =	vsub.f32 v59, v60;
	v12 =	vld [tilespmem:s22+$0x8260];
	v62 =	vmul.f32 v2, v2;
	v1 =	vadd.f32 v3, v57  }
0x74: {  	s31 =	simm.s32 $0x80;
	v9 =	vld [tilespmem:s22+$0x2260];
	v2 =	vadd.f32 v5, v13;
	v3 =	vadd.f32 v10, v14  }
0x75: {  	s22 =	simm.s32 $0x400;
	v10 =	vld [tilespmem:s31+$0x2270];
	v5 =	vadd.f32 v62, v58;
	v13 =	vmul.f32 v63, v63;
	v14 =	vsub.f32 v61, v15  }
.LBB2_4:
0x76: {  	p0 =	sne.s32 s22, $0x7E00;
	v15 =	vld [tilespmem:s31+$0x8270]  }
0x77: {  	v16 =	vld [tilespmem:s31+$0x2200];
	v0 =	vadd.f32 v13, v0;
	v13 =	vmul.f32 v14, v14;
	v8 =	vsub.f32 v8, v11  }
0x78: {  	v11 =	vld [tilespmem:s31+$0x8200]  }
0x79: {  	v14 =	vld [tilespmem:s31+$0x2210];
	v4 =	vadd.f32 v13, v4;
	v8 =	vmul.f32 v8, v8;
	v9 =	vsub.f32 v9, v12  }
0x7a: {  	v12 =	vld [tilespmem:s31+$0x8210]  }
0x7b: {  	v13 =	vld [tilespmem:s31+$0x2220];
	v10 =	vsub.f32 v10, v15;
	v7 =	vadd.f32 v8, v7;
	v8 =	vmul.f32 v9, v9  }
0x7c: {  	v9 =	vld [tilespmem:s31+$0x8220]  }
0x7d: {  	v11 =	vsub.f32 v16, v11;
	v15 =	vld [tilespmem:s31+$0x2230];
	v10 =	vmul.f32 v10, v10;
	v6 =	vadd.f32 v8, v6  }
0x7e: {  	v16 =	vld [tilespmem:s31+$0x8230]  }
0x7f: {  	v8 =	vmul.f32 v11, v11;
	v11 =	vsub.f32 v14, v12;
	v14 =	vld [tilespmem:s31+$0x2240];
	v1 =	vadd.f32 v10, v1  }
0x80: {  	v17 =	vld [tilespmem:s31+$0x8240]  }
.Ltmp1:
0x81: {  	v2 =	vadd.f32 v8, v2;
	v10 =	vmul.f32 v11, v11;
	v9 =	vsub.f32 v13, v9;
	v8 =	vld [tilespmem:s31+$0x2250];
	(pc) =	sbr.rel @p0 .LBB2_4-.Ltmp1, $4  }
0x82: {  	v11 =	vld [tilespmem:s31+$0x8250]  }
0x83: {  	v3 =	vadd.f32 v10, v3;
	v13 =	vmul.f32 v9, v9;
	v15 =	vsub.f32 v15, v16;
	v9 =	vld [tilespmem:s31+$0x2260]  }
0x84: {  	v12 =	vld [tilespmem:s31+$0x8260];
	s31 =	sshra.s32 s22, $0x2  }
0x85: {  	s22 =	sadd.s32 $0x200, s22;
	v10 =	vld [tilespmem:s31+$0x2270];
	v5 =	vadd.f32 v13, v5;
	v13 =	vmul.f32 v15, v15;
	v14 =	vsub.f32 v14, v17  }
0x86: {  	v15 =	vld [tilespmem:s31+$0x8270]  }
0x87: {  	v16 =	vld [tilespmem:s31+$0x2200]  }
0x88: {  	v17 =	vld [tilespmem:s31+$0x8200]  }
0x89: {  	v18 =	vld [tilespmem:s31+$0x2210]  }
0x8a: {  	v19 =	vld [tilespmem:s31+$0x8210]  }
0x8b: {  	v20 =	vld [tilespmem:s31+$0x2220]  }
0x8c: {  	v21 =	vld [tilespmem:s31+$0x8220]  }
0x8d: {  	v22 =	vld [tilespmem:s31+$0x2230]  }
0x8e: {  	v23 =	vld [tilespmem:s31+$0x8230]  }
0x8f: {  	v24 =	vld [tilespmem:s31+$0x2240]  }
0x90: {  	v25 =	vld [tilespmem:s31+$0x8240]  }
0x91: {  	v26 =	vld [tilespmem:s31+$0x2250]  }
0x92: {  	v27 =	vld [tilespmem:s31+$0x8250]  }
0x93: {  	v28 =	vld [tilespmem:s31+$0x2260];
	s22 =	simm.s32 $0x100  }
0x94: {  	v29 =	vld [tilespmem:s31+$0x8260];
	[tilespmem:s20], [sflag:$0x2] =	stream.indirect.gather [hbm4b:s1+s17], $0x80, s22, s17, $0xb8  }
0x95: {  	s22 =	simm.s32 $0x0  }
0x96: {  	[tilespmem:s21], [sflag:$0x5] =	stream.linear.gather [hbm4b:s10+s22], $0x2000, $0x38;
	[tilespmem:$0xC280] =	vst v63  }
0x97: {  	_ =	swait.ge [sflag:s0], $0x2000  }
0x98: {  	[sflag:s0] =	ssyncset.done $0x0  }
0x99: {  	[sflag:s0] =	ssyncadd.s32 $0xFFFFE000  }
0x9a: {  	_ =	swait.ge [sflag:s2], $0x2000  }
0x9b: {  	v8 =	vsub.f32 v8, v11;
	[sflag:s2] =	ssyncset.done $0x0  }
0x9c: {  	v11 =	vmul.f32 v14, v14;
	s22 =	simm.s32 $0x0;
	[sflag:s2] =	ssyncadd.s32 $0xFFFFE000  }
0x9d: {  	v8 =	vmul.f32 v8, v8;
	v9 =	vsub.f32 v9, v12;
	v12 =	vld [tilespmem:s22+$0x4270]  }
0x9e: {  	v0 =	vadd.f32 v13, v0;
	v4 =	vadd.f32 v11, v4;
	v11 =	vld [tilespmem:s22+$0xA270]  }
0x9f: {  	v10 =	vsub.f32 v10, v15;
	v7 =	vadd.f32 v8, v7;
	v8 =	vmul.f32 v9, v9;
	v9 =	vld [tilespmem:s22+$0x4200]  }
0xa0: {  	v13 =	vsub.f32 v16, v17;
	v14 =	vsub.f32 v18, v19;
	v15 =	vld [tilespmem:s22+$0xA200]  }
0xa1: {  	v6 =	vadd.f32 v8, v6;
	v8 =	vmul.f32 v10, v10;
	v10 =	vsub.f32 v20, v21;
	v56 =	vld [tilespmem:s22+$0x4210]  }
0xa2: {  	v57 =	vsub.f32 v22, v23;
	v13 =	vmul.f32 v13, v13;
	v14 =	vmul.f32 v14, v14;
	v58 =	vld [tilespmem:s22+$0xA210]  }
0xa3: {  	v1 =	vadd.f32 v8, v1;
	v8 =	vmul.f32 v10, v10;
	v10 =	vsub.f32 v24, v25;
	v59 =	vld [tilespmem:s22+$0x4220]  }
0xa4: {  	v2 =	vadd.f32 v13, v2;
	v3 =	vadd.f32 v14, v3;
	v13 =	vmul.f32 v57, v57;
	v14 =	vld [tilespmem:s22+$0xA220]  }
0xa5: {  	v60 =	vld [tilespmem:s22+$0x4230];
	v5 =	vadd.f32 v8, v5;
	v8 =	vmul.f32 v10, v10;
	v10 =	vsub.f32 v26, v27  }
0xa6: {  	v61 =	vld [tilespmem:s22+$0xA230];
	v0 =	vadd.f32 v13, v0;
	v13 =	vsub.f32 v28, v29  }
0xa7: {  	v62 =	vld [tilespmem:s22+$0x4240];
	v4 =	vadd.f32 v8, v4;
	v8 =	vmul.f32 v10, v10;
	v10 =	vsub.f32 v12, v11  }
0xa8: {  	v9 =	vsub.f32 v9, v15;
	v11 =	vmul.f32 v13, v13;
	v12 =	vsub.f32 v56, v58;
	v15 =	vld [tilespmem:s22+$0xA240]  }
0xa9: {  	v7 =	vadd.f32 v8, v7;
	v13 =	vsub.f32 v59, v14;
	v8 =	vld [tilespmem:s22+$0x4250];
	v10 =	vmul.f32 v10, v10  }
0xaa: {  	v6 =	vadd.f32 v11, v6;
	v14 =	vmul.f32 v9, v9;
	v12 =	vmul.f32 v12, v12;
	v11 =	vld [tilespmem:s22+$0xA250]  }
0xab: {  	v63 =	vsub.f32 v60, v61;
	v13 =	vmul.f32 v13, v13;
	v9 =	vld [tilespmem:s22+$0x4260];
	v1 =	vadd.f32 v10, v1  }
0xac: {  	s31 =	simm.s32 $0x80;
	v2 =	vadd.f32 v14, v2;
	v3 =	vadd.f32 v12, v3;
	v12 =	vld [tilespmem:s22+$0xA260]  }
0xad: {  	v10 =	vld [tilespmem:s31+$0x4270];
	s22 =	simm.s32 $0x400;
	v5 =	vadd.f32 v13, v5;
	v13 =	vmul.f32 v63, v63;
	v14 =	vsub.f32 v62, v15  }
.LBB2_6:
0xae: {  	p0 =	sne.s32 s22, $0x7E00;
	v15 =	vld [tilespmem:s31+$0xA270]  }
0xaf: {  	v16 =	vld [tilespmem:s31+$0x4200];
	v0 =	vadd.f32 v13, v0;
	v13 =	vmul.f32 v14, v14;
	v8 =	vsub.f32 v8, v11  }
0xb0: {  	v11 =	vld [tilespmem:s31+$0xA200]  }
0xb1: {  	v14 =	vld [tilespmem:s31+$0x4210];
	v4 =	vadd.f32 v13, v4;
	v8 =	vmul.f32 v8, v8;
	v9 =	vsub.f32 v9, v12  }
0xb2: {  	v12 =	vld [tilespmem:s31+$0xA210]  }
0xb3: {  	v13 =	vld [tilespmem:s31+$0x4220];
	v10 =	vsub.f32 v10, v15;
	v7 =	vadd.f32 v8, v7;
	v8 =	vmul.f32 v9, v9  }
0xb4: {  	v9 =	vld [tilespmem:s31+$0xA220]  }
0xb5: {  	v11 =	vsub.f32 v16, v11;
	v15 =	vld [tilespmem:s31+$0x4230];
	v10 =	vmul.f32 v10, v10;
	v6 =	vadd.f32 v8, v6  }
0xb6: {  	v16 =	vld [tilespmem:s31+$0xA230]  }
0xb7: {  	v8 =	vmul.f32 v11, v11;
	v11 =	vsub.f32 v14, v12;
	v14 =	vld [tilespmem:s31+$0x4240];
	v1 =	vadd.f32 v10, v1  }
0xb8: {  	v17 =	vld [tilespmem:s31+$0xA240]  }
.Ltmp2:
0xb9: {  	v2 =	vadd.f32 v8, v2;
	v10 =	vmul.f32 v11, v11;
	v9 =	vsub.f32 v13, v9;
	v8 =	vld [tilespmem:s31+$0x4250];
	(pc) =	sbr.rel @p0 .LBB2_6-.Ltmp2, $4  }
0xba: {  	v11 =	vld [tilespmem:s31+$0xA250]  }
0xbb: {  	v3 =	vadd.f32 v10, v3;
	v13 =	vmul.f32 v9, v9;
	v15 =	vsub.f32 v15, v16;
	v9 =	vld [tilespmem:s31+$0x4260]  }
0xbc: {  	v12 =	vld [tilespmem:s31+$0xA260];
	s31 =	sshra.s32 s22, $0x2  }
0xbd: {  	s22 =	sadd.s32 $0x200, s22;
	v10 =	vld [tilespmem:s31+$0x4270];
	v5 =	vadd.f32 v13, v5;
	v13 =	vmul.f32 v15, v15;
	v14 =	vsub.f32 v14, v17  }
0xbe: {  	v15 =	vld [tilespmem:s31+$0xA270]  }
0xbf: {  	v16 =	vld [tilespmem:s31+$0x4200]  }
0xc0: {  	v17 =	vld [tilespmem:s31+$0xA200]  }
0xc1: {  	v18 =	vld [tilespmem:s31+$0x4210]  }
0xc2: {  	v19 =	vld [tilespmem:s31+$0xA210]  }
0xc3: {  	v20 =	vld [tilespmem:s31+$0x4220]  }
0xc4: {  	v21 =	vld [tilespmem:s31+$0xA220]  }
0xc5: {  	v22 =	vld [tilespmem:s31+$0x4230]  }
0xc6: {  	v23 =	vld [tilespmem:s31+$0xA230]  }
0xc7: {  	v24 =	vld [tilespmem:s31+$0x4240]  }
0xc8: {  	v25 =	vld [tilespmem:s31+$0xA240]  }
0xc9: {  	v26 =	vld [tilespmem:s31+$0x4250]  }
0xca: {  	v27 =	vld [tilespmem:s31+$0xA250]  }
0xcb: {  	v28 =	vld [tilespmem:s31+$0x4260];
	s22 =	simm.s32 $0x140  }
0xcc: {  	v29 =	vld [tilespmem:s31+$0xA260];
	[tilespmem:s23], [sflag:$0x3] =	stream.indirect.gather [hbm4b:s1+s17], $0x80, s22, s17, $0xb8  }
0xcd: {  	s22 =	simm.s32 $0x0  }
0xce: {  	[tilespmem:s24], [sflag:$0x6] =	stream.linear.gather [hbm4b:s11+s22], $0x2000, $0x38;
	[tilespmem:$0xC280] =	vst v63  }
0xcf: {  	_ =	swait.ge [sflag:s25], $0x2000  }
0xd0: {  	[sflag:s25] =	ssyncset.done $0x0  }
0xd1: {  	[sflag:s25] =	ssyncadd.s32 $0xFFFFE000  }
0xd2: {  	_ =	swait.ge [sflag:s26], $0x2000  }
0xd3: {  	v8 =	vsub.f32 v8, v11;
	[sflag:s26] =	ssyncset.done $0x0  }
0xd4: {  	v11 =	vmul.f32 v14, v14;
	s22 =	simm.s32 $0x0;
	[sflag:s26] =	ssyncadd.s32 $0xFFFFE000  }
0xd5: {  	v8 =	vmul.f32 v8, v8;
	v9 =	vsub.f32 v9, v12;
	v12 =	vld [tilespmem:s22+$0x270]  }
0xd6: {  	v0 =	vadd.f32 v13, v0;
	v4 =	vadd.f32 v11, v4;
	v11 =	vld [tilespmem:s22+$0x6270]  }
0xd7: {  	v10 =	vsub.f32 v10, v15;
	v7 =	vadd.f32 v8, v7;
	v8 =	vmul.f32 v9, v9;
	v9 =	vld [tilespmem:s22+$0x200]  }
0xd8: {  	v13 =	vsub.f32 v16, v17;
	v14 =	vsub.f32 v18, v19;
	v15 =	vld [tilespmem:s22+$0x6200]  }
0xd9: {  	v6 =	vadd.f32 v8, v6;
	v8 =	vmul.f32 v10, v10;
	v10 =	vsub.f32 v20, v21;
	v56 =	vld [tilespmem:s22+$0x210]  }
0xda: {  	v57 =	vsub.f32 v22, v23;
	v13 =	vmul.f32 v13, v13;
	v14 =	vmul.f32 v14, v14;
	v58 =	vld [tilespmem:s22+$0x6210]  }
0xdb: {  	v1 =	vadd.f32 v8, v1;
	v8 =	vmul.f32 v10, v10;
	v10 =	vsub.f32 v24, v25;
	v59 =	vld [tilespmem:s22+$0x220]  }
0xdc: {  	v2 =	vadd.f32 v13, v2;
	v3 =	vadd.f32 v14, v3;
	v13 =	vmul.f32 v57, v57;
	v14 =	vld [tilespmem:s22+$0x6220]  }
0xdd: {  	v60 =	vld [tilespmem:s22+$0x230];
	v5 =	vadd.f32 v8, v5;
	v8 =	vmul.f32 v10, v10;
	v10 =	vsub.f32 v26, v27  }
0xde: {  	v61 =	vld [tilespmem:s22+$0x6230];
	v0 =	vadd.f32 v13, v0;
	v13 =	vsub.f32 v28, v29  }
0xdf: {  	v62 =	vld [tilespmem:s22+$0x240];
	v4 =	vadd.f32 v8, v4;
	v8 =	vmul.f32 v10, v10;
	v10 =	vsub.f32 v12, v11  }
0xe0: {  	v9 =	vsub.f32 v9, v15;
	v11 =	vmul.f32 v13, v13;
	v12 =	vsub.f32 v56, v58;
	v15 =	vld [tilespmem:s22+$0x6240]  }
0xe1: {  	v7 =	vadd.f32 v8, v7;
	v13 =	vsub.f32 v59, v14;
	v8 =	vld [tilespmem:s22+$0x250];
	v10 =	vmul.f32 v10, v10  }
0xe2: {  	v6 =	vadd.f32 v11, v6;
	v14 =	vmul.f32 v9, v9;
	v12 =	vmul.f32 v12, v12;
	v11 =	vld [tilespmem:s22+$0x6250]  }
0xe3: {  	v63 =	vsub.f32 v60, v61;
	v13 =	vmul.f32 v13, v13;
	v9 =	vld [tilespmem:s22+$0x260];
	v1 =	vadd.f32 v10, v1  }
0xe4: {  	s31 =	simm.s32 $0x80;
	v2 =	vadd.f32 v14, v2;
	v3 =	vadd.f32 v12, v3;
	v12 =	vld [tilespmem:s22+$0x6260]  }
0xe5: {  	v10 =	vld [tilespmem:s31+$0x270];
	s22 =	simm.s32 $0x400;
	v5 =	vadd.f32 v13, v5;
	v13 =	vmul.f32 v63, v63;
	v14 =	vsub.f32 v62, v15  }
.LBB2_8:
0xe6: {  	p0 =	sne.s32 s22, $0x7E00;
	v15 =	vld [tilespmem:s31+$0x6270]  }
0xe7: {  	v16 =	vld [tilespmem:s31+$0x200];
	v0 =	vadd.f32 v13, v0;
	v13 =	vmul.f32 v14, v14;
	v8 =	vsub.f32 v8, v11  }
0xe8: {  	v11 =	vld [tilespmem:s31+$0x6200]  }
0xe9: {  	v14 =	vld [tilespmem:s31+$0x210];
	v4 =	vadd.f32 v13, v4;
	v8 =	vmul.f32 v8, v8;
	v9 =	vsub.f32 v9, v12  }
0xea: {  	v12 =	vld [tilespmem:s31+$0x6210]  }
0xeb: {  	v13 =	vld [tilespmem:s31+$0x220];
	v10 =	vsub.f32 v10, v15;
	v7 =	vadd.f32 v8, v7;
	v8 =	vmul.f32 v9, v9  }
0xec: {  	v9 =	vld [tilespmem:s31+$0x6220]  }
0xed: {  	v11 =	vsub.f32 v16, v11;
	v15 =	vld [tilespmem:s31+$0x230];
	v10 =	vmul.f32 v10, v10;
	v6 =	vadd.f32 v8, v6  }
0xee: {  	v16 =	vld [tilespmem:s31+$0x6230]  }
0xef: {  	v8 =	vmul.f32 v11, v11;
	v11 =	vsub.f32 v14, v12;
	v14 =	vld [tilespmem:s31+$0x240];
	v1 =	vadd.f32 v10, v1  }
0xf0: {  	v17 =	vld [tilespmem:s31+$0x6240]  }
.Ltmp3:
0xf1: {  	v2 =	vadd.f32 v8, v2;
	v10 =	vmul.f32 v11, v11;
	v9 =	vsub.f32 v13, v9;
	v8 =	vld [tilespmem:s31+$0x250];
	(pc) =	sbr.rel @p0 .LBB2_8-.Ltmp3, $4  }
0xf2: {  	v11 =	vld [tilespmem:s31+$0x6250]  }
0xf3: {  	v3 =	vadd.f32 v10, v3;
	v13 =	vmul.f32 v9, v9;
	v15 =	vsub.f32 v15, v16;
	v9 =	vld [tilespmem:s31+$0x260]  }
0xf4: {  	v12 =	vld [tilespmem:s31+$0x6260];
	s31 =	sshra.s32 s22, $0x2  }
0xf5: {  	s22 =	sadd.s32 $0x200, s22;
	v10 =	vld [tilespmem:s31+$0x270];
	v5 =	vadd.f32 v13, v5;
	v13 =	vmul.f32 v15, v15;
	v14 =	vsub.f32 v14, v17  }
0xf6: {  	v15 =	vld [tilespmem:s31+$0x6270]  }
0xf7: {  	v16 =	vld [tilespmem:s31+$0x200]  }
0xf8: {  	v17 =	vld [tilespmem:s31+$0x6200]  }
0xf9: {  	v18 =	vld [tilespmem:s31+$0x210]  }
0xfa: {  	v19 =	vld [tilespmem:s31+$0x6210]  }
0xfb: {  	v20 =	vld [tilespmem:s31+$0x220]  }
0xfc: {  	v21 =	vld [tilespmem:s31+$0x6220]  }
0xfd: {  	v22 =	vld [tilespmem:s31+$0x230]  }
0xfe: {  	v23 =	vld [tilespmem:s31+$0x6230]  }
0xff: {  	v24 =	vld [tilespmem:s31+$0x240]  }
0x100: {  	v25 =	vld [tilespmem:s31+$0x6240]  }
0x101: {  	v26 =	vld [tilespmem:s31+$0x250]  }
0x102: {  	v27 =	vld [tilespmem:s31+$0x6250]  }
0x103: {  	v28 =	vld [tilespmem:s31+$0x260];
	s22 =	simm.s32 $0x180  }
0x104: {  	v29 =	vld [tilespmem:s31+$0x6260];
	[tilespmem:s18], [sflag:$0x1] =	stream.indirect.gather [hbm4b:s1+s17], $0x80, s22, s17, $0xb8  }
0x105: {  	s22 =	simm.s32 $0x0  }
0x106: {  	[tilespmem:s19], [sflag:$0x4] =	stream.linear.gather [hbm4b:s12+s22], $0x2000, $0x38;
	[tilespmem:$0xC280] =	vst v63  }
0x107: {  	_ =	swait.ge [sflag:s29], $0x2000  }
0x108: {  	[sflag:s29] =	ssyncset.done $0x0  }
0x109: {  	[sflag:s29] =	ssyncadd.s32 $0xFFFFE000  }
0x10a: {  	_ =	swait.ge [sflag:s30], $0x2000  }
0x10b: {  	v8 =	vsub.f32 v8, v11;
	[sflag:s30] =	ssyncset.done $0x0  }
0x10c: {  	v11 =	vmul.f32 v14, v14;
	s22 =	simm.s32 $0x0;
	[sflag:s30] =	ssyncadd.s32 $0xFFFFE000  }
0x10d: {  	v8 =	vmul.f32 v8, v8;
	v9 =	vsub.f32 v9, v12;
	v12 =	vld [tilespmem:s22+$0x2270]  }
0x10e: {  	v0 =	vadd.f32 v13, v0;
	v4 =	vadd.f32 v11, v4;
	v11 =	vld [tilespmem:s22+$0x8270]  }
0x10f: {  	v10 =	vsub.f32 v10, v15;
	v7 =	vadd.f32 v8, v7;
	v8 =	vmul.f32 v9, v9;
	v9 =	vld [tilespmem:s22+$0x2200]  }
0x110: {  	v13 =	vsub.f32 v16, v17;
	v14 =	vsub.f32 v18, v19;
	v15 =	vld [tilespmem:s22+$0x8200]  }
0x111: {  	v6 =	vadd.f32 v8, v6;
	v8 =	vmul.f32 v10, v10;
	v10 =	vsub.f32 v20, v21;
	v56 =	vld [tilespmem:s22+$0x2210]  }
0x112: {  	v57 =	vsub.f32 v22, v23;
	v13 =	vmul.f32 v13, v13;
	v14 =	vmul.f32 v14, v14;
	v58 =	vld [tilespmem:s22+$0x8210]  }
0x113: {  	v1 =	vadd.f32 v8, v1;
	v8 =	vmul.f32 v10, v10;
	v10 =	vsub.f32 v24, v25;
	v59 =	vld [tilespmem:s22+$0x2220]  }
0x114: {  	v2 =	vadd.f32 v13, v2;
	v3 =	vadd.f32 v14, v3;
	v13 =	vmul.f32 v57, v57;
	v14 =	vld [tilespmem:s22+$0x8220]  }
0x115: {  	v60 =	vld [tilespmem:s22+$0x2230];
	v5 =	vadd.f32 v8, v5;
	v8 =	vmul.f32 v10, v10;
	v10 =	vsub.f32 v26, v27  }
0x116: {  	v61 =	vld [tilespmem:s22+$0x8230];
	v0 =	vadd.f32 v13, v0;
	v13 =	vsub.f32 v28, v29  }
0x117: {  	v62 =	vld [tilespmem:s22+$0x2240];
	v4 =	vadd.f32 v8, v4;
	v8 =	vmul.f32 v10, v10;
	v10 =	vsub.f32 v12, v11  }
0x118: {  	v9 =	vsub.f32 v9, v15;
	v11 =	vmul.f32 v13, v13;
	v12 =	vsub.f32 v56, v58;
	v15 =	vld [tilespmem:s22+$0x8240]  }
0x119: {  	v7 =	vadd.f32 v8, v7;
	v13 =	vsub.f32 v59, v14;
	v8 =	vld [tilespmem:s22+$0x2250];
	v10 =	vmul.f32 v10, v10  }
0x11a: {  	v6 =	vadd.f32 v11, v6;
	v14 =	vmul.f32 v9, v9;
	v12 =	vmul.f32 v12, v12;
	v11 =	vld [tilespmem:s22+$0x8250]  }
0x11b: {  	v63 =	vsub.f32 v60, v61;
	v13 =	vmul.f32 v13, v13;
	v9 =	vld [tilespmem:s22+$0x2260];
	v1 =	vadd.f32 v10, v1  }
0x11c: {  	s31 =	simm.s32 $0x80;
	v2 =	vadd.f32 v14, v2;
	v3 =	vadd.f32 v12, v3;
	v12 =	vld [tilespmem:s22+$0x8260]  }
0x11d: {  	v10 =	vld [tilespmem:s31+$0x2270];
	s22 =	simm.s32 $0x400;
	v5 =	vadd.f32 v13, v5;
	v13 =	vmul.f32 v63, v63;
	v14 =	vsub.f32 v62, v15  }
.LBB2_10:
0x11e: {  	p0 =	sne.s32 s22, $0x7E00;
	v15 =	vld [tilespmem:s31+$0x8270]  }
0x11f: {  	v16 =	vld [tilespmem:s31+$0x2200];
	v0 =	vadd.f32 v13, v0;
	v13 =	vmul.f32 v14, v14;
	v8 =	vsub.f32 v8, v11  }
0x120: {  	v11 =	vld [tilespmem:s31+$0x8200]  }
0x121: {  	v14 =	vld [tilespmem:s31+$0x2210];
	v4 =	vadd.f32 v13, v4;
	v8 =	vmul.f32 v8, v8;
	v9 =	vsub.f32 v9, v12  }
0x122: {  	v12 =	vld [tilespmem:s31+$0x8210]  }
0x123: {  	v13 =	vld [tilespmem:s31+$0x2220];
	v10 =	vsub.f32 v10, v15;
	v7 =	vadd.f32 v8, v7;
	v8 =	vmul.f32 v9, v9  }
0x124: {  	v9 =	vld [tilespmem:s31+$0x8220]  }
0x125: {  	v11 =	vsub.f32 v16, v11;
	v15 =	vld [tilespmem:s31+$0x2230];
	v10 =	vmul.f32 v10, v10;
	v6 =	vadd.f32 v8, v6  }
0x126: {  	v16 =	vld [tilespmem:s31+$0x8230]  }
0x127: {  	v8 =	vmul.f32 v11, v11;
	v11 =	vsub.f32 v14, v12;
	v14 =	vld [tilespmem:s31+$0x2240];
	v1 =	vadd.f32 v10, v1  }
0x128: {  	v17 =	vld [tilespmem:s31+$0x8240]  }
.Ltmp4:
0x129: {  	v2 =	vadd.f32 v8, v2;
	v10 =	vmul.f32 v11, v11;
	v9 =	vsub.f32 v13, v9;
	v8 =	vld [tilespmem:s31+$0x2250];
	(pc) =	sbr.rel @p0 .LBB2_10-.Ltmp4, $4  }
0x12a: {  	v11 =	vld [tilespmem:s31+$0x8250]  }
0x12b: {  	v3 =	vadd.f32 v10, v3;
	v13 =	vmul.f32 v9, v9;
	v15 =	vsub.f32 v15, v16;
	v9 =	vld [tilespmem:s31+$0x2260]  }
0x12c: {  	v12 =	vld [tilespmem:s31+$0x8260];
	s31 =	sshra.s32 s22, $0x2  }
0x12d: {  	s22 =	sadd.s32 $0x200, s22;
	v10 =	vld [tilespmem:s31+$0x2270];
	v5 =	vadd.f32 v13, v5;
	v13 =	vmul.f32 v15, v15;
	v14 =	vsub.f32 v14, v17  }
0x12e: {  	v15 =	vld [tilespmem:s31+$0x8270]  }
0x12f: {  	v16 =	vld [tilespmem:s31+$0x2200]  }
0x130: {  	v17 =	vld [tilespmem:s31+$0x8200]  }
0x131: {  	v18 =	vld [tilespmem:s31+$0x2210]  }
0x132: {  	v19 =	vld [tilespmem:s31+$0x8210]  }
0x133: {  	v20 =	vld [tilespmem:s31+$0x2220]  }
0x134: {  	v21 =	vld [tilespmem:s31+$0x8220]  }
0x135: {  	v22 =	vld [tilespmem:s31+$0x2230]  }
0x136: {  	v23 =	vld [tilespmem:s31+$0x8230]  }
0x137: {  	v24 =	vld [tilespmem:s31+$0x2240]  }
0x138: {  	v25 =	vld [tilespmem:s31+$0x8240]  }
0x139: {  	v26 =	vld [tilespmem:s31+$0x2250]  }
0x13a: {  	v27 =	vld [tilespmem:s31+$0x8250]  }
0x13b: {  	v28 =	vld [tilespmem:s31+$0x2260];
	s22 =	simm.s32 $0x1C0  }
0x13c: {  	v29 =	vld [tilespmem:s31+$0x8260];
	[tilespmem:s20], [sflag:$0x2] =	stream.indirect.gather [hbm4b:s1+s17], $0x80, s22, s17, $0xb8  }
0x13d: {  	s22 =	simm.s32 $0x0  }
0x13e: {  	[tilespmem:s21], [sflag:$0x5] =	stream.linear.gather [hbm4b:s13+s22], $0x2000, $0x38;
	[tilespmem:$0xC280] =	vst v63  }
0x13f: {  	_ =	swait.ge [sflag:s0], $0x2000  }
0x140: {  	[sflag:s0] =	ssyncset.done $0x0  }
0x141: {  	[sflag:s0] =	ssyncadd.s32 $0xFFFFE000  }
0x142: {  	_ =	swait.ge [sflag:s2], $0x2000  }
0x143: {  	v8 =	vsub.f32 v8, v11;
	[sflag:s2] =	ssyncset.done $0x0  }
0x144: {  	v11 =	vmul.f32 v14, v14;
	s22 =	simm.s32 $0x0;
	[sflag:s2] =	ssyncadd.s32 $0xFFFFE000  }
0x145: {  	v8 =	vmul.f32 v8, v8;
	v9 =	vsub.f32 v9, v12;
	v12 =	vld [tilespmem:s22+$0x4270]  }
0x146: {  	v0 =	vadd.f32 v13, v0;
	v4 =	vadd.f32 v11, v4;
	v11 =	vld [tilespmem:s22+$0xA270]  }
0x147: {  	v10 =	vsub.f32 v10, v15;
	v7 =	vadd.f32 v8, v7;
	v8 =	vmul.f32 v9, v9;
	v9 =	vld [tilespmem:s22+$0x4200]  }
0x148: {  	v13 =	vsub.f32 v16, v17;
	v14 =	vsub.f32 v18, v19;
	v15 =	vld [tilespmem:s22+$0xA200]  }
0x149: {  	v6 =	vadd.f32 v8, v6;
	v8 =	vmul.f32 v10, v10;
	v10 =	vsub.f32 v20, v21;
	v56 =	vld [tilespmem:s22+$0x4210]  }
0x14a: {  	v57 =	vsub.f32 v22, v23;
	v13 =	vmul.f32 v13, v13;
	v14 =	vmul.f32 v14, v14;
	v58 =	vld [tilespmem:s22+$0xA210]  }
0x14b: {  	v1 =	vadd.f32 v8, v1;
	v8 =	vmul.f32 v10, v10;
	v10 =	vsub.f32 v24, v25;
	v59 =	vld [tilespmem:s22+$0x4220]  }
0x14c: {  	v2 =	vadd.f32 v13, v2;
	v3 =	vadd.f32 v14, v3;
	v13 =	vmul.f32 v57, v57;
	v14 =	vld [tilespmem:s22+$0xA220]  }
0x14d: {  	v60 =	vld [tilespmem:s22+$0x4230];
	v5 =	vadd.f32 v8, v5;
	v8 =	vmul.f32 v10, v10;
	v10 =	vsub.f32 v26, v27  }
0x14e: {  	v61 =	vld [tilespmem:s22+$0xA230];
	v0 =	vadd.f32 v13, v0;
	v13 =	vsub.f32 v28, v29  }
0x14f: {  	v62 =	vld [tilespmem:s22+$0x4240];
	v4 =	vadd.f32 v8, v4;
	v8 =	vmul.f32 v10, v10;
	v10 =	vsub.f32 v12, v11  }
0x150: {  	v9 =	vsub.f32 v9, v15;
	v11 =	vmul.f32 v13, v13;
	v12 =	vsub.f32 v56, v58;
	v15 =	vld [tilespmem:s22+$0xA240]  }
0x151: {  	v7 =	vadd.f32 v8, v7;
	v13 =	vsub.f32 v59, v14;
	v8 =	vld [tilespmem:s22+$0x4250];
	v10 =	vmul.f32 v10, v10  }
0x152: {  	v6 =	vadd.f32 v11, v6;
	v14 =	vmul.f32 v9, v9;
	v12 =	vmul.f32 v12, v12;
	v11 =	vld [tilespmem:s22+$0xA250]  }
0x153: {  	v63 =	vsub.f32 v60, v61;
	v13 =	vmul.f32 v13, v13;
	v9 =	vld [tilespmem:s22+$0x4260];
	v1 =	vadd.f32 v10, v1  }
0x154: {  	s31 =	simm.s32 $0x80;
	v2 =	vadd.f32 v14, v2;
	v3 =	vadd.f32 v12, v3;
	v12 =	vld [tilespmem:s22+$0xA260]  }
0x155: {  	v10 =	vld [tilespmem:s31+$0x4270];
	s22 =	simm.s32 $0x400;
	v5 =	vadd.f32 v13, v5;
	v13 =	vmul.f32 v63, v63;
	v14 =	vsub.f32 v62, v15  }
.LBB2_12:
0x156: {  	p0 =	sne.s32 s22, $0x7E00;
	v15 =	vld [tilespmem:s31+$0xA270]  }
0x157: {  	v16 =	vld [tilespmem:s31+$0x4200];
	v0 =	vadd.f32 v13, v0;
	v13 =	vmul.f32 v14, v14;
	v8 =	vsub.f32 v8, v11  }
0x158: {  	v11 =	vld [tilespmem:s31+$0xA200]  }
0x159: {  	v14 =	vld [tilespmem:s31+$0x4210];
	v4 =	vadd.f32 v13, v4;
	v8 =	vmul.f32 v8, v8;
	v9 =	vsub.f32 v9, v12  }
0x15a: {  	v12 =	vld [tilespmem:s31+$0xA210]  }
0x15b: {  	v13 =	vld [tilespmem:s31+$0x4220];
	v10 =	vsub.f32 v10, v15;
	v7 =	vadd.f32 v8, v7;
	v8 =	vmul.f32 v9, v9  }
0x15c: {  	v9 =	vld [tilespmem:s31+$0xA220]  }
0x15d: {  	v11 =	vsub.f32 v16, v11;
	v15 =	vld [tilespmem:s31+$0x4230];
	v10 =	vmul.f32 v10, v10;
	v6 =	vadd.f32 v8, v6  }
0x15e: {  	v16 =	vld [tilespmem:s31+$0xA230]  }
0x15f: {  	v8 =	vmul.f32 v11, v11;
	v11 =	vsub.f32 v14, v12;
	v14 =	vld [tilespmem:s31+$0x4240];
	v1 =	vadd.f32 v10, v1  }
0x160: {  	v17 =	vld [tilespmem:s31+$0xA240]  }
.Ltmp5:
0x161: {  	v2 =	vadd.f32 v8, v2;
	v10 =	vmul.f32 v11, v11;
	v9 =	vsub.f32 v13, v9;
	v8 =	vld [tilespmem:s31+$0x4250];
	(pc) =	sbr.rel @p0 .LBB2_12-.Ltmp5, $4  }
0x162: {  	v11 =	vld [tilespmem:s31+$0xA250]  }
0x163: {  	v3 =	vadd.f32 v10, v3;
	v13 =	vmul.f32 v9, v9;
	v15 =	vsub.f32 v15, v16;
	v9 =	vld [tilespmem:s31+$0x4260]  }
0x164: {  	v12 =	vld [tilespmem:s31+$0xA260];
	s31 =	sshra.s32 s22, $0x2  }
0x165: {  	s22 =	sadd.s32 $0x200, s22;
	v10 =	vld [tilespmem:s31+$0x4270];
	v5 =	vadd.f32 v13, v5;
	v13 =	vmul.f32 v15, v15;
	v14 =	vsub.f32 v14, v17  }
0x166: {  	v15 =	vld [tilespmem:s31+$0xA270]  }
0x167: {  	v16 =	vld [tilespmem:s31+$0x4200]  }
0x168: {  	v17 =	vld [tilespmem:s31+$0xA200]  }
0x169: {  	v18 =	vld [tilespmem:s31+$0x4210]  }
0x16a: {  	v19 =	vld [tilespmem:s31+$0xA210]  }
0x16b: {  	v20 =	vld [tilespmem:s31+$0x4220]  }
0x16c: {  	v21 =	vld [tilespmem:s31+$0xA220]  }
0x16d: {  	v22 =	vld [tilespmem:s31+$0x4230]  }
0x16e: {  	v23 =	vld [tilespmem:s31+$0xA230]  }
0x16f: {  	v24 =	vld [tilespmem:s31+$0x4240]  }
0x170: {  	v25 =	vld [tilespmem:s31+$0xA240]  }
0x171: {  	v26 =	vld [tilespmem:s31+$0x4250]  }
0x172: {  	v27 =	vld [tilespmem:s31+$0xA250]  }
0x173: {  	v28 =	vld [tilespmem:s31+$0x4260]  }
0x174: {  	v29 =	vld [tilespmem:s31+$0xA260];
	_ =	swait.ge [sflag:s25], $0x2000  }
0x175: {  	[sflag:s25] =	ssyncset.done $0x0  }
0x176: {  	[sflag:s25] =	ssyncadd.s32 $0xFFFFE000  }
0x177: {  	_ =	swait.ge [sflag:s26], $0x2000  }
0x178: {  	v8 =	vsub.f32 v8, v11;
	[sflag:s26] =	ssyncset.done $0x0  }
0x179: {  	s22 =	simm.s32 $0x0;
	v11 =	vmul.f32 v14, v14;
	[sflag:s26] =	ssyncadd.s32 $0xFFFFE000  }
0x17a: {  	v8 =	vmul.f32 v8, v8;
	v9 =	vsub.f32 v9, v12;
	v12 =	vld [tilespmem:s22+$0x270]  }
0x17b: {  	v4 =	vadd.f32 v11, v4;
	v11 =	vld [tilespmem:s22+$0x6270]  }
0x17c: {  	v7 =	vadd.f32 v8, v7;
	v8 =	vmul.f32 v9, v9;
	v9 =	vld [tilespmem:s22+$0x200]  }
0x17d: {  	v0 =	vadd.f32 v13, v0;
	v10 =	vsub.f32 v10, v15;
	v15 =	vld [tilespmem:s22+$0x6200]  }
0x17e: {  	v13 =	vsub.f32 v16, v17;
	v14 =	vsub.f32 v18, v19;
	v56 =	vld [tilespmem:s22+$0x210]  }
0x17f: {  	v58 =	vld [tilespmem:s22+$0x6210];
	v6 =	vadd.f32 v8, v6;
	v8 =	vmul.f32 v10, v10;
	v10 =	vsub.f32 v20, v21  }
0x180: {  	v57 =	vsub.f32 v22, v23;
	v59 =	vld [tilespmem:s22+$0x220];
	v13 =	vmul.f32 v13, v13;
	v14 =	vmul.f32 v14, v14  }
0x181: {  	v60 =	vld [tilespmem:s22+$0x230];
	v1 =	vadd.f32 v8, v1;
	v8 =	vmul.f32 v10, v10;
	v10 =	vsub.f32 v24, v25  }
0x182: {  	v2 =	vadd.f32 v13, v2;
	v3 =	vadd.f32 v14, v3;
	v13 =	vmul.f32 v57, v57;
	v14 =	vld [tilespmem:s22+$0x6220]  }
0x183: {  	v61 =	vld [tilespmem:s22+$0x6230];
	v5 =	vadd.f32 v8, v5;
	v8 =	vmul.f32 v10, v10;
	v10 =	vsub.f32 v26, v27  }
0x184: {  	v62 =	vld [tilespmem:s22+$0x240];
	v0 =	vadd.f32 v13, v0;
	v13 =	vsub.f32 v28, v29  }
0x185: {  	v9 =	vsub.f32 v9, v15;
	v15 =	vld [tilespmem:s22+$0x6240];
	v4 =	vadd.f32 v8, v4;
	v8 =	vmul.f32 v10, v10  }
0x186: {  	v10 =	vsub.f32 v12, v11;
	v11 =	vmul.f32 v13, v13;
	v12 =	vsub.f32 v56, v58  }
0x187: {  	v13 =	vsub.f32 v59, v14;
	v14 =	vmul.f32 v9, v9;
	v7 =	vadd.f32 v8, v7;
	v8 =	vld [tilespmem:s22+$0x250]  }
0x188: {  	v63 =	vsub.f32 v60, v61;
	v6 =	vadd.f32 v11, v6;
	v12 =	vmul.f32 v12, v12;
	v11 =	vld [tilespmem:s22+$0x6250]  }
0x189: {  	v9 =	vld [tilespmem:s22+$0x260];
	v10 =	vmul.f32 v10, v10;
	v13 =	vmul.f32 v13, v13;
	v2 =	vadd.f32 v14, v2  }
0x18a: {  	s31 =	simm.s32 $0x80;
	v14 =	vsub.f32 v62, v15;
	v3 =	vadd.f32 v12, v3;
	v12 =	vld [tilespmem:s22+$0x6260]  }
0x18b: {  	v1 =	vadd.f32 v10, v1;
	v10 =	vld [tilespmem:s31+$0x270];
	s22 =	simm.s32 $0x400;
	v5 =	vadd.f32 v13, v5;
	v13 =	vmul.f32 v63, v63  }
.LBB2_14:
0x18c: {  	p0 =	sne.s32 s22, $0x7E00;
	v15 =	vld [tilespmem:s31+$0x6270]  }
0x18d: {  	v16 =	vld [tilespmem:s31+$0x200];
	v0 =	vadd.f32 v13, v0;
	v13 =	vmul.f32 v14, v14;
	v8 =	vsub.f32 v8, v11  }
0x18e: {  	v11 =	vld [tilespmem:s31+$0x6200]  }
0x18f: {  	v14 =	vld [tilespmem:s31+$0x210];
	v4 =	vadd.f32 v13, v4;
	v8 =	vmul.f32 v8, v8;
	v9 =	vsub.f32 v9, v12  }
0x190: {  	v12 =	vld [tilespmem:s31+$0x6210]  }
0x191: {  	v13 =	vld [tilespmem:s31+$0x220];
	v10 =	vsub.f32 v10, v15;
	v7 =	vadd.f32 v8, v7;
	v8 =	vmul.f32 v9, v9  }
0x192: {  	v9 =	vld [tilespmem:s31+$0x6220]  }
0x193: {  	v11 =	vsub.f32 v16, v11;
	v15 =	vld [tilespmem:s31+$0x230];
	v10 =	vmul.f32 v10, v10;
	v6 =	vadd.f32 v8, v6  }
0x194: {  	v16 =	vld [tilespmem:s31+$0x6230]  }
0x195: {  	v8 =	vmul.f32 v11, v11;
	v11 =	vsub.f32 v14, v12;
	v14 =	vld [tilespmem:s31+$0x240];
	v1 =	vadd.f32 v10, v1  }
0x196: {  	v17 =	vld [tilespmem:s31+$0x6240]  }
.Ltmp6:
0x197: {  	v2 =	vadd.f32 v8, v2;
	v10 =	vmul.f32 v11, v11;
	v9 =	vsub.f32 v13, v9;
	v8 =	vld [tilespmem:s31+$0x250];
	(pc) =	sbr.rel @p0 .LBB2_14-.Ltmp6, $4  }
0x198: {  	v11 =	vld [tilespmem:s31+$0x6250]  }
0x199: {  	v3 =	vadd.f32 v10, v3;
	v13 =	vmul.f32 v9, v9;
	v15 =	vsub.f32 v15, v16;
	v9 =	vld [tilespmem:s31+$0x260]  }
0x19a: {  	v12 =	vld [tilespmem:s31+$0x6260];
	s31 =	sshra.s32 s22, $0x2  }
0x19b: {  	s22 =	sadd.s32 $0x200, s22;
	v10 =	vld [tilespmem:s31+$0x270];
	v5 =	vadd.f32 v13, v5;
	v13 =	vmul.f32 v15, v15;
	v14 =	vsub.f32 v14, v17  }
0x19c: {  	v15 =	vld [tilespmem:s31+$0x6270]  }
0x19d: {  	v16 =	vld [tilespmem:s31+$0x200]  }
0x19e: {  	v17 =	vld [tilespmem:s31+$0x6200]  }
0x19f: {  	v18 =	vld [tilespmem:s31+$0x210]  }
0x1a0: {  	v19 =	vld [tilespmem:s31+$0x6210]  }
0x1a1: {  	v20 =	vld [tilespmem:s31+$0x220]  }
0x1a2: {  	v21 =	vld [tilespmem:s31+$0x6220]  }
0x1a3: {  	v22 =	vld [tilespmem:s31+$0x230]  }
0x1a4: {  	v23 =	vld [tilespmem:s31+$0x6230]  }
0x1a5: {  	v24 =	vld [tilespmem:s31+$0x240]  }
0x1a6: {  	v25 =	vld [tilespmem:s31+$0x6240]  }
0x1a7: {  	v26 =	vld [tilespmem:s31+$0x250]  }
0x1a8: {  	v27 =	vld [tilespmem:s31+$0x6250]  }
0x1a9: {  	v28 =	vld [tilespmem:s31+$0x260]  }
0x1aa: {  	v29 =	vld [tilespmem:s31+$0x6260];
	_ =	swait.ge [sflag:s29], $0x2000  }
0x1ab: {  	[sflag:s29] =	ssyncset.done $0x0  }
0x1ac: {  	[sflag:s29] =	ssyncadd.s32 $0xFFFFE000  }
0x1ad: {  	v8 =	vsub.f32 v8, v11;
	_ =	swait.ge [sflag:s30], $0x2000  }
0x1ae: {  	v11 =	vmul.f32 v14, v14;
	[sflag:s30] =	ssyncset.done $0x0  }
0x1af: {  	s22 =	simm.s32 $0x0;
	v8 =	vmul.f32 v8, v8;
	v9 =	vsub.f32 v9, v12;
	[sflag:s30] =	ssyncadd.s32 $0xFFFFE000  }
0x1b0: {  	v0 =	vadd.f32 v13, v0;
	v11 =	vadd.f32 v11, v4;
	v12 =	vld [tilespmem:s22+$0x2270]  }
0x1b1: {  	v4 =	vsub.f32 v10, v15;
	v7 =	vadd.f32 v8, v7;
	v8 =	vmul.f32 v9, v9;
	v13 =	vld [tilespmem:s22+$0x8270]  }
0x1b2: {  	v10 =	vsub.f32 v16, v17;
	v14 =	vsub.f32 v18, v19;
	v9 =	vld [tilespmem:s22+$0x2200]  }
0x1b3: {  	v15 =	vld [tilespmem:s22+$0x8200];
	v6 =	vadd.f32 v8, v6;
	v4 =	vmul.f32 v4, v4;
	v8 =	vsub.f32 v20, v21  }
0x1b4: {  	v55 =	vsub.f32 v22, v23;
	v54 =	vld [tilespmem:s22+$0x2210];
	v10 =	vmul.f32 v10, v10  }
0x1b5: {  	v56 =	vld [tilespmem:s22+$0x8210];
	v14 =	vmul.f32 v14, v14;
	v57 =	vadd.f32 v4, v1;
	v1 =	vmul.f32 v8, v8  }
0x1b6: {  	v4 =	vsub.f32 v24, v25;
	v8 =	vld [tilespmem:s22+$0x2220];
	v58 =	vadd.f32 v10, v2;
	v2 =	vmul.f32 v55, v55  }
0x1b7: {  	v59 =	vsub.f32 v26, v27;
	v14 =	vadd.f32 v14, v3;
	v10 =	vld [tilespmem:s22+$0x8220]  }
0x1b8: {  	v60 =	vld [tilespmem:s22+$0x2230];
	v5 =	vadd.f32 v1, v5;
	v1 =	vmul.f32 v4, v4;
	v4 =	vadd.f32 v2, v0  }
0x1b9: {  	v61 =	vld [tilespmem:s22+$0x8230];
	v0 =	vsub.f32 v28, v29;
	v9 =	vsub.f32 v9, v15  }
0x1ba: {  	v15 =	vld [tilespmem:s22+$0x8240];
	v3 =	vadd.f32 v1, v11;
	v1 =	vmul.f32 v59, v59;
	v11 =	vsub.f32 v12, v13  }
0x1bb: {  	v13 =	vld [tilespmem:s22+$0x2240];
	v0 =	vmul.f32 v0, v0;
	v12 =	vsub.f32 v54, v56  }
0x1bc: {  	v8 =	vsub.f32 v8, v10;
	v10 =	vld [tilespmem:s22+$0x2250];
	v2 =	vadd.f32 v1, v7;
	v7 =	vmul.f32 v11, v11  }
0x1bd: {  	v1 =	vadd.f32 v0, v6;
	v6 =	vmul.f32 v9, v9;
	v11 =	vmul.f32 v12, v12;
	v12 =	vld [tilespmem:s22+$0x8250]  }
0x1be: {  	v63 =	vsub.f32 v60, v61;
	v9 =	vld [tilespmem:s22+$0x2260];
	v62 =	vmul.f32 v8, v8;
	v0 =	vadd.f32 v7, v57  }
0x1bf: {  	s31 =	simm.s32 $0x80;
	v6 =	vadd.f32 v6, v58;
	v7 =	vadd.f32 v11, v14;
	v11 =	vld [tilespmem:s22+$0x8260]  }
0x1c0: {  	v8 =	vld [tilespmem:s31+$0x2270];
	s22 =	simm.s32 $0x400;
	v14 =	vmul.f32 v63, v63;
	v5 =	vadd.f32 v62, v5;
	v13 =	vsub.f32 v13, v15  }
.LBB2_16:
0x1c1: {  	p0 =	sne.s32 s22, $0x7E00;
	v15 =	vld [tilespmem:s31+$0x8270]  }
0x1c2: {  	v16 =	vld [tilespmem:s31+$0x2200];
	v4 =	vadd.f32 v14, v4;
	v13 =	vmul.f32 v13, v13;
	v10 =	vsub.f32 v10, v12  }
0x1c3: {  	v12 =	vld [tilespmem:s31+$0x8200]  }
0x1c4: {  	v14 =	vld [tilespmem:s31+$0x2210];
	v3 =	vadd.f32 v13, v3;
	v10 =	vmul.f32 v10, v10;
	v9 =	vsub.f32 v9, v11  }
0x1c5: {  	v11 =	vld [tilespmem:s31+$0x8210]  }
0x1c6: {  	v13 =	vld [tilespmem:s31+$0x2220];
	v8 =	vsub.f32 v8, v15;
	v2 =	vadd.f32 v10, v2;
	v9 =	vmul.f32 v9, v9  }
0x1c7: {  	v10 =	vld [tilespmem:s31+$0x8220]  }
0x1c8: {  	v12 =	vsub.f32 v16, v12;
	v15 =	vld [tilespmem:s31+$0x2230];
	v8 =	vmul.f32 v8, v8;
	v1 =	vadd.f32 v9, v1  }
0x1c9: {  	v9 =	vld [tilespmem:s31+$0x8230]  }
0x1ca: {  	v12 =	vmul.f32 v12, v12;
	v11 =	vsub.f32 v14, v11;
	v16 =	vld [tilespmem:s31+$0x2240];
	v0 =	vadd.f32 v8, v0  }
0x1cb: {  	v17 =	vld [tilespmem:s31+$0x8240]  }
.Ltmp7:
0x1cc: {  	v6 =	vadd.f32 v12, v6;
	v8 =	vmul.f32 v11, v11;
	v11 =	vsub.f32 v13, v10;
	v10 =	vld [tilespmem:s31+$0x2250];
	(pc) =	sbr.rel @p0 .LBB2_16-.Ltmp7, $4  }
0x1cd: {  	v12 =	vld [tilespmem:s31+$0x8250]  }
0x1ce: {  	v7 =	vadd.f32 v8, v7;
	v13 =	vmul.f32 v11, v11;
	v14 =	vsub.f32 v15, v9;
	v9 =	vld [tilespmem:s31+$0x2260]  }
0x1cf: {  	v11 =	vld [tilespmem:s31+$0x8260];
	s31 =	sshra.s32 s22, $0x2  }
0x1d0: {  	s22 =	sadd.s32 $0x200, s22;
	v8 =	vld [tilespmem:s31+$0x2270];
	v5 =	vadd.f32 v13, v5;
	v14 =	vmul.f32 v14, v14;
	v13 =	vsub.f32 v16, v17  }
0x1d1: {  	v15 =	vld [tilespmem:s31+$0x2200]  }
0x1d2: {  	v16 =	vld [tilespmem:s31+$0x8200]  }
0x1d3: {  	v17 =	vld [tilespmem:s31+$0x2210]  }
0x1d4: {  	v18 =	vld [tilespmem:s31+$0x8210]  }
0x1d5: {  	v19 =	vld [tilespmem:s31+$0x2220]  }
0x1d6: {  	v20 =	vld [tilespmem:s31+$0x8220]  }
0x1d7: {  	v21 =	vld [tilespmem:s31+$0x2230]  }
0x1d8: {  	v22 =	vld [tilespmem:s31+$0x8230]  }
0x1d9: {  	v23 =	vld [tilespmem:s31+$0x2240]  }
0x1da: {  	v44 =	vld [tilespmem:s31+$0x8240];
	v15 =	vsub.f32 v15, v16;
	v43 =	vsub.f32 v17, v18  }
0x1db: {  	v49 =	vld [tilespmem:s31+$0x2250];
	v4 =	vadd.f32 v14, v4  }
0x1dc: {  	v51 =	vld [tilespmem:s31+$0x8250];
	v48 =	vsub.f32 v19, v20;
	v46 =	vmul.f32 v15, v15;
	v47 =	vmul.f32 v43, v43  }
0x1dd: {  	v53 =	vld [tilespmem:s31+$0x2260];
	v10 =	vsub.f32 v10, v12;
	v45 =	vmul.f32 v13, v13;
	v50 =	vsub.f32 v21, v22  }
0x1de: {  	v55 =	vld [tilespmem:s31+$0x8260];
	v52 =	vmul.f32 v48, v48;
	v6 =	vadd.f32 v46, v6;
	v7 =	vadd.f32 v47, v7  }
0x1df: {  	v3 =	vadd.f32 v45, v3;
	v54 =	vsub.f32 v23, v44  }
0x1e0: {  	v56 =	vld [tilespmem:s31+$0x8270];
	v12 =	vmul.f32 v50, v50;
	v5 =	vadd.f32 v52, v5;
	v6 =	vadd.f32 v7, v6  }
0x1e1: {  	v9 =	vsub.f32 v9, v11;
	v10 =	vmul.f32 v10, v10;
	v57 =	vsub.f32 v49, v51  }
0x1e2: {  	v11 =	vmul.f32 v54, v54;
	v4 =	vadd.f32 v12, v4;
	v5 =	vadd.f32 v5, v6  }
0x1e3: {  	v2 =	vadd.f32 v10, v2;
	v58 =	vmul.f32 v9, v9;
	v60 =	vsub.f32 v53, v55  }
0x1e4: {  	v59 =	vmul.f32 v57, v57;
	v3 =	vadd.f32 v11, v3;
	v4 =	vadd.f32 v4, v5  }
0x1e5: {  	v61 =	vsub.f32 v8, v56;
	v1 =	vadd.f32 v58, v1  }
0x1e6: {  	v62 =	vmul.f32 v60, v60;
	v2 =	vadd.f32 v59, v2;
	v3 =	vadd.f32 v3, v4;
	_ =	sdelay $0x1  }
0x1e7: {  	v63 =	vmul.f32 v61, v61;
	v1 =	vadd.f32 v62, v1;
	v2 =	vadd.f32 v2, v3;
	_ =	sdelay $0x1  }
0x1e8: {  	v0 =	vadd.f32 v63, v0;
	v1 =	vadd.f32 v1, v2;
	_ =	sdelay $0x1  }
0x1e9: {  	s28 =	sadd.s32 $0x1, s28;
	v0 =	vadd.f32 v0, v1  }
0x1ea: {  	p0 =	sne.s32 s28, s15  }
.Ltmp8:
0x1eb: {  	s22 =	simm.s32 $0xC200;
	[tilespmem:$0xC200] =	vst v0;
	(pc) =	sbr.rel @p0 .LBB2_1-.Ltmp8, $4  }
0x1ec: {  	[hbm4b:s14+s3] =	stream.linear.scatter [tilespmem:s22], [sflag:$0x7], $0x80, $0x38;
	[tilespmem:$0xC280] =	vst v63  }
0x1ed: {  	_ =	swait.ge [sflag:s16], $0x80  }
0x1ee: {  	[sflag:s16] =	ssyncset.done $0x0  }
0x1ef: {  	[sflag:s16] =	ssyncadd.s32 $0xFFFFFF80  }
0x1f0: {  	_ =	sfence.sel $0x180000  }
0x1f1: {  	[bflag:$0x0] =	sbarrier.arrive $0xFFFF  }
0x1f2: {  	_ =	strace $0x90000047  }
0x1f3: {  	s0 =	stileid.u32;
	[bflag:$0x2] =	sbarrier.arrive $0xFFFF  }
0x1f4: {  	p0 =	sne.s32 s0, $0x0;
	s0 =	rddreg [dreg:$0x4]  }
0x1f5: {  	s0 =	sadd.s32 @!p0 $0x100000, s0  }
0x1f6: {  	[sflag:s0] =	ssyncadd.tile.s32 @!p0 $0x1;
	_ =	shalt  }
.Lfunc_end2:
_tile_overlayer_lowered:
.L_overlay_start_2:
0x1f7: {  	(tag) =	ssettag $0x2  }
0x1f8: {  	s0 =	rddreg [dreg:$0x0];
	s2 =	stileid.u32  }
0x1f9: {  	s1 =	rddreg [dreg:$0x1];
	p0 =	sne.s32 s2, $0x0  }
0x1fa: {  	s3 =	rddreg [dreg:$0x2];
	[bflag:$0x3] =	sbarrier.arrive $0xFFFF;
	s2 =	simm.s32 @!p0 $0x1C07  }
0x1fb: {  	[timem:s3], [sflag:s2] =	dma.local @!p0 [hbm:s0], s1  }
0x1fc: {  	s0 =	simm.s32 @!p0 $0x7  }
0x1fd: {  	_ =	swait.ge @!p0 [sflag:s0], s1  }
0x1fe: {  	s1 =	ssub.s32 @!p0 $0x0, s1;
	[sflag:s0] =	ssyncset.done @!p0 $0x0  }
0x1ff: {  	[sflag:s0] =	ssyncadd.s32 @!p0 s1  }
0x200: {  	[bflag:$0x3] =	sbarrier.arrive $0xFFFF  }
0x201: {  	_ =	shalt  }

</sc_bundles>
